<compile_context>
chip_gen: v7x
topology: tpu7x:2x2x1
jax: 0.10.2.dev20260603
libtpu: 0.0.44.dev20260713+nightly
codegen_flags: <defaults>
</compile_context>

<pallas_src>
import functools
import jax
import jax.numpy as jnp
from jax import lax
from jax.experimental import pallas as pl
from jax.experimental.pallas import tpu as pltpu
from jax.experimental.pallas import tpu_sc as plsc

_WALL_COT = 0.5
_NSEG = 8


def _dense_body(out_ref, in_ref, m_ref, s_ref, e_ref, d_ref,
                recov_o, re_o, segsub_o, pmsub_o):
    b = pl.program_id(0)
    hc = pl.program_id(1)

    @pl.when(jnp.logical_and(b == 0, hc == 0))
    def _init():
        recov_o[...] = jnp.zeros_like(recov_o)

    m = m_ref[0, 0]
    o = out_ref[0]
    x = in_ref[0]
    t = jnp.where(m[None] >= _WALL_COT, 0.0, x)
    diff = o - t
    mse = jnp.sum(diff * diff, axis=0)
    mpos = m > 0.0
    recov_sum = jnp.sum(jnp.where(mpos, mse, 0.0), axis=0)
    recov_cnt = jnp.sum(mpos.astype(jnp.float32), axis=0)
    recov_o[0:1, :] = recov_o[0:1, :] + recov_sum[None]
    recov_o[1:2, :] = recov_o[1:2, :] + recov_cnt[None]

    e = e_ref[0]
    d = d_ref[0]
    ed = e - d
    re_o[0] = jnp.sum(ed * ed, axis=0) / 96.0

    echunk, hchunk = e_ref.shape[2], m_ref.shape[2]
    wchunk, wechunk = m_ref.shape[3], e_ref.shape[3]
    he_i = jax.lax.broadcasted_iota(jnp.int32, (echunk, hchunk), 0)
    h_i = jax.lax.broadcasted_iota(jnp.int32, (echunk, hchunk), 1)
    p2 = (h_i == 4 * he_i).astype(jnp.float32)
    w_i = jax.lax.broadcasted_iota(jnp.int32, (wchunk, wechunk), 0)
    we_i = jax.lax.broadcasted_iota(jnp.int32, (wchunk, wechunk), 1)
    p1 = (w_i == 4 * we_i).astype(jnp.float32)
    seg = s_ref[0, 0]
    pm = jnp.logical_and(m < _WALL_COT, m > 0.0).astype(jnp.float32)
    segsub_o[0] = jnp.dot(jnp.dot(p2, seg, preferred_element_type=jnp.float32),
                          p1, preferred_element_type=jnp.float32)
    pmsub_o[0] = jnp.dot(jnp.dot(p2, pm, preferred_element_type=jnp.float32),
                         p1, preferred_element_type=jnp.float32)


def _sc_stats(seg_hbm, pm_hbm, re_hbm, out_hbm,
              seg1, pm1, re1, acc_v, sem0, sem1):
    cid = lax.axis_index("c")
    sid = lax.axis_index("s")
    wid = sid * 2 + cid
    npts = 4096
    base = wid * npts

    cp0 = pltpu.async_copy(seg_hbm.at[pl.ds(base, npts)], seg1, sem0)
    cp1 = pltpu.async_copy(pm_hbm.at[pl.ds(base, npts)], pm1, sem1)
    pltpu.sync_copy(re_hbm.at[pl.ds(base, npts)], re1)
    cp0.wait()
    cp1.wait()

    zero = jnp.zeros((16,), jnp.float32)
    carry = tuple(zero for _ in range(3 * _NSEG))

    def body(r, acc):
        acc = list(acc)
        segv = seg1[pl.ds(r * 16, 16)]
        pmv = pm1[pl.ds(r * 16, 16)]
        rev = re1[pl.ds(r * 16, 16)]
        for s in range(_NSEG):
            msk = segv == float(s)
            acc[s] = acc[s] + jnp.where(msk, 1.0, 0.0)
            acc[_NSEG + s] = acc[_NSEG + s] + jnp.where(msk, pmv, 0.0)
            acc[2 * _NSEG + s] = acc[2 * _NSEG + s] + jnp.where(
                msk, rev, 0.0)
        return tuple(acc)

    acc = lax.fori_loop(0, 256, body, carry)
    for i in range(3 * _NSEG):
        acc_v[i, :] = acc[i]
    pltpu.sync_copy(acc_v, out_hbm.at[wid])


def _combine_body(sc_ref, recov_ref, loss_ref):
    v = jnp.sum(sc_ref[...], axis=2)
    v4 = v.reshape(_NSEG, 4, 3 * _NSEG)
    g = jnp.sum(v4, axis=1)
    cnt = g[:, 0:_NSEG]
    pos = g[:, _NSEG:2 * _NSEG]
    err = g[:, 2 * _NSEG:3 * _NSEG]
    valid = jnp.logical_not(cnt / 16384.0 < 0.01)
    mean_err = err / cnt
    flags = jnp.logical_and(valid, pos / cnt > 0.01)
    pos_sum = jnp.sum(jnp.where(flags, mean_err, 0.0))
    pos_cnt = jnp.sum(flags.astype(jnp.float32))
    rs = jnp.sum(recov_ref[0:1, :])
    rc = jnp.sum(recov_ref[1:2, :])
    loss = rs / rc + pos_sum / pos_cnt
    loss_ref[...] = jnp.broadcast_to(loss, loss_ref.shape)


def kernel(outputs, inputs, enc1, dec1, masks, segs, confidence,
           iteration, epoch):
    B, C, H, W = outputs.shape
    _, Ce, He, We = enc1.shape
    nhc = 4
    hchunk = H // nhc
    echunk = He // nhc
    f32 = jnp.float32

    recov_o, re_o, segsub_o, pmsub_o = pl.pallas_call(
        _dense_body,
        grid=(B, nhc),
        in_specs=[
            pl.BlockSpec((1, C, hchunk, W), lambda b, h: (b, 0, h, 0)),
            pl.BlockSpec((1, C, hchunk, W), lambda b, h: (b, 0, h, 0)),
            pl.BlockSpec((1, 1, hchunk, W), lambda b, h: (b, 0, h, 0)),
            pl.BlockSpec((1, 1, hchunk, W), lambda b, h: (b, 0, h, 0)),
            pl.BlockSpec((1, Ce, echunk, We), lambda b, h: (b, 0, h, 0)),
            pl.BlockSpec((1, Ce, echunk, We), lambda b, h: (b, 0, h, 0)),
        ],
        out_specs=[
            pl.BlockSpec((8, W), lambda b, h: (0, 0)),
            pl.BlockSpec((1, echunk, We), lambda b, h: (b, h, 0)),
            pl.BlockSpec((1, echunk, We), lambda b, h: (b, h, 0)),
            pl.BlockSpec((1, echunk, We), lambda b, h: (b, h, 0)),
        ],
        out_shape=[
            jax.ShapeDtypeStruct((8, W), f32),
            jax.ShapeDtypeStruct((B, He, We), f32),
            jax.ShapeDtypeStruct((B, He, We), f32),
            jax.ShapeDtypeStruct((B, He, We), f32),
        ],
        compiler_params=pltpu.CompilerParams(
            dimension_semantics=("arbitrary", "arbitrary")),
    )(outputs, inputs, masks, segs, enc1, dec1)

    mesh = plsc.VectorSubcoreMesh(core_axis_name="c", subcore_axis_name="s")
    sc_stats = functools.partial(
        pl.kernel, mesh=mesh,
        out_type=jax.ShapeDtypeStruct((32, 3 * _NSEG, 16), f32),
        scratch_types=[
            pltpu.VMEM((4096,), f32),
            pltpu.VMEM((4096,), f32),
            pltpu.VMEM((4096,), f32),
            pltpu.VMEM((3 * _NSEG, 16), f32),
            pltpu.SemaphoreType.DMA,
            pltpu.SemaphoreType.DMA,
        ],
        compiler_params=pltpu.CompilerParams(use_tc_tiling_on_sc=False),
    )(_sc_stats)
    sc_out = sc_stats(segsub_o.reshape(B * He * We),
                      pmsub_o.reshape(B * He * We),
                      re_o.reshape(B * He * We))

    loss_out = pl.pallas_call(
        _combine_body,
        out_shape=jax.ShapeDtypeStruct((8, 128), f32),
    )(sc_out, recov_o)
    return loss_out[0, 0]

# --- scband reference (transcript-rebuilt; emitter-appended) ---
"""Pipeline reference for scband-confidence-loss-v2-69320772157832 (READ-ONLY COPY).

The authoritative reference and input builder live on the scoring server;
editing this copy changes nothing except your own understanding.
"""

import jax, jax.numpy as jnp
import numpy as np

WALL_COT = 0.5


def setup_inputs(seed: int = 0) -> dict:
    key = jax.random.key(seed)
    ks = jax.random.split(key, 8)
    B, C, H, W = 8, 4, 512, 512
    Ce, He, We = 96, 128, 128
    outputs = jax.random.normal(ks[0], (B, C, H, W), dtype=jnp.float32)
    inputs = jax.random.normal(ks[1], (B, C, H, W), dtype=jnp.float32)
    enc1 = jax.random.normal(ks[2], (B, Ce, He, We), dtype=jnp.float32)
    dec1 = jax.random.normal(ks[3], (B, Ce, He, We), dtype=jnp.float32)
    masks = jax.random.uniform(ks[4], (B, 1, H, W), dtype=jnp.float32)
    segs = jax.random.randint(ks[5], (B, 1, H, W), 0, 8).astype(jnp.float32)
    confidence = jnp.ones((1,), dtype=jnp.float32)
    return {"outputs": outputs, "inputs": inputs, "enc1": enc1, "dec1": dec1,
            "masks": masks, "segs": segs, "confidence": confidence,
            "iteration": 1, "epoch": 1}


def _nearest_idx(out_size, in_size):
    # torch F.interpolate(mode='nearest'): src_idx = floor(dst_idx * in/out)
    return jnp.floor(jnp.arange(out_size) * (in_size / out_size)).astype(jnp.int32)


def reference(outputs, inputs, enc1, dec1, masks, segs, confidence, iteration, epoch):
    # default path: plot=False, return_confidence=False
    B, Ce, He, We = enc1.shape
    H, W = masks.shape[2], masks.shape[3]
    hi = _nearest_idx(He, H)
    wi = _nearest_idx(We, W)
    seg_i = segs[:, 0][:, hi][:, :, wi]   # [B, He, We]
    mask_i = masks[:, 0][:, hi][:, :, wi]  # [B, He, We]
    reco_error = jnp.mean((enc1 - dec1) ** 2, axis=1)  # [B, He, We]
    n_pix = He * We
    N_SEG = 8  # segs is drawn from randint(0, 8); label set is static
    vals = jnp.arange(N_SEG, dtype=seg_i.dtype)
    m = seg_i[:, None, :, :] == vals[None, :, None, None]        # [B, 8, He, We]
    counts = jnp.sum(m, axis=(2, 3))                             # [B, 8]
    valid = jnp.logical_not(counts / n_pix < 0.01)               # [B, 8]
    mask_b = mask_i[:, None, :, :]
    pos = jnp.sum((mask_b < WALL_COT) & (mask_b > 0) & m, axis=(2, 3))  # [B, 8]
    seg_err = jnp.sum(jnp.where(m, reco_error[:, None, :, :], 0.0), axis=(2, 3))
    mean_err = seg_err / counts                                  # [B, 8]
    flags = valid & (pos / counts > 0.01)                        # [B, 8]
    pos_sum = jnp.sum(jnp.where(flags, mean_err, 0.0))
    pos_cnt = jnp.sum(flags)
    targets = jnp.where(masks >= WALL_COT, jnp.zeros_like(inputs), inputs)
    mse_recov = jnp.sum((outputs - targets) ** 2, axis=1, keepdims=True)  # [B,1,H,W]
    mpos = masks > 0
    loss_recov = jnp.sum(jnp.where(mpos, mse_recov, 0.0)) / jnp.sum(mpos)
    loss_total = loss_recov + pos_sum / pos_cnt
    return loss_total

if __name__ == "__main__":
    import jax
    _d = setup_inputs()
    print(jax.jit(kernel)(*tuple(_d.values())))

</pallas_src>

<mosaic_0001>
#map = affine_map<(d0, d1) -> (0)>
#map1 = affine_map<(d0, d1) -> (0, 0, 0)>
module attributes {stable_mosaic.version = 14 : i64} {
  func.func @_sc_stats(%arg0: i32, %arg1: i32, %arg2: memref<131072xf32, #tpu.memory_space<hbm>>, %arg3: memref<131072xf32, #tpu.memory_space<hbm>>, %arg4: memref<131072xf32, #tpu.memory_space<hbm>>, %arg5: memref<32x24x16xf32, #tpu.memory_space<hbm>>, %arg6: memref<4096xf32, #tpu.memory_space<vmem>>, %arg7: memref<4096xf32, #tpu.memory_space<vmem>>, %arg8: memref<4096xf32, #tpu.memory_space<vmem>>, %arg9: memref<24x16xf32, #tpu.memory_space<vmem>>, %arg10: memref<!tpu.dma_semaphore, #tpu.memory_space<semaphore_mem>>, %arg11: memref<!tpu.dma_semaphore, #tpu.memory_space<semaphore_mem>>) attributes {dimension_semantics = [#tpu.dimension_semantics<core_parallel>, #tpu.dimension_semantics<subcore_parallel>], iteration_bounds = array<i64: 2, 16>, scalar_prefetch = 0 : i64, scratch_operands = 6 : i64, tpu.core_type = #tpu.core_type<sc_vector_subcore>, window_params = [{transform_indices = #map}, {transform_indices = #map}, {transform_indices = #map}, {transform_indices = #map1}]} {
    %mul3A = arith.constant 2 : i32
    %mul3A_0 = arith.muli %arg1, %mul3A : i32
    %add3A = arith.addi %mul3A_0, %arg0 : i32
    %mul3A_1 = arith.constant 4096 : i32
    %mul3A_2 = arith.muli %add3A, %mul3A_1 : i32
    %dma_start3A = tpu.memref_slice %arg2[%mul3A_2] : memref<131072xf32, #tpu.memory_space<hbm>> -> memref<4096xf32, #tpu.memory_space<hbm>>
    %dma_start3A_3 = tpu.memref_slice %arg2[%mul3A_2] : memref<131072xf32, #tpu.memory_space<hbm>> -> memref<4096xf32, #tpu.memory_space<hbm>>
    tpu.enqueue_dma source(%dma_start3A_3 : memref<4096xf32, #tpu.memory_space<hbm>>) target(%arg6 : memref<4096xf32, #tpu.memory_space<vmem>>) target_semaphore(%arg10 : memref<!tpu.dma_semaphore, #tpu.memory_space<semaphore_mem>>)
    %dma_start3A_4 = tpu.memref_slice %arg3[%mul3A_2] : memref<131072xf32, #tpu.memory_space<hbm>> -> memref<4096xf32, #tpu.memory_space<hbm>>
    %dma_start3A_5 = tpu.memref_slice %arg3[%mul3A_2] : memref<131072xf32, #tpu.memory_space<hbm>> -> memref<4096xf32, #tpu.memory_space<hbm>>
    tpu.enqueue_dma source(%dma_start3A_5 : memref<4096xf32, #tpu.memory_space<hbm>>) target(%arg7 : memref<4096xf32, #tpu.memory_space<vmem>>) target_semaphore(%arg11 : memref<!tpu.dma_semaphore, #tpu.memory_space<semaphore_mem>>)
    "tpu.region"() ({
      %run_scoped3A = tpu.sem_alloc : memref<!tpu.dma_semaphore, #tpu.memory_space<semaphore_mem>>
      %dma_start3A_158 = tpu.memref_slice %arg4[%mul3A_2] : memref<131072xf32, #tpu.memory_space<hbm>> -> memref<4096xf32, #tpu.memory_space<hbm>>
      %dma_start3A_159 = tpu.memref_slice %arg4[%mul3A_2] : memref<131072xf32, #tpu.memory_space<hbm>> -> memref<4096xf32, #tpu.memory_space<hbm>>
      tpu.enqueue_dma source(%dma_start3A_159 : memref<4096xf32, #tpu.memory_space<hbm>>) target(%arg8 : memref<4096xf32, #tpu.memory_space<vmem>>) target_semaphore(%run_scoped3A : memref<!tpu.dma_semaphore, #tpu.memory_space<semaphore_mem>>)
      %dma_wait3A_160 = tpu.memref_slice %arg4[%mul3A_2] : memref<131072xf32, #tpu.memory_space<hbm>> -> memref<4096xf32, #tpu.memory_space<hbm>>
      %dma_wait3A_161 = tpu.memref_slice %arg4[%mul3A_2] : memref<131072xf32, #tpu.memory_space<hbm>> -> memref<4096xf32, #tpu.memory_space<hbm>>
      tpu.wait_dma2 semaphore(%run_scoped3A : memref<!tpu.dma_semaphore, #tpu.memory_space<semaphore_mem>>) src(%dma_wait3A_161 : memref<4096xf32, #tpu.memory_space<hbm>>) dst(%arg8 : memref<4096xf32, #tpu.memory_space<vmem>>)
      tpu.yield
    }) : () -> ()
    %dma_wait3A = tpu.memref_slice %arg2[%mul3A_2] : memref<131072xf32, #tpu.memory_space<hbm>> -> memref<4096xf32, #tpu.memory_space<hbm>>
    %dma_wait3A_6 = tpu.memref_slice %arg2[%mul3A_2] : memref<131072xf32, #tpu.memory_space<hbm>> -> memref<4096xf32, #tpu.memory_space<hbm>>
    tpu.wait_dma2 semaphore(%arg10 : memref<!tpu.dma_semaphore, #tpu.memory_space<semaphore_mem>>) src(%dma_wait3A_6 : memref<4096xf32, #tpu.memory_space<hbm>>) dst(%arg6 : memref<4096xf32, #tpu.memory_space<vmem>>)
    %dma_wait3A_7 = tpu.memref_slice %arg3[%mul3A_2] : memref<131072xf32, #tpu.memory_space<hbm>> -> memref<4096xf32, #tpu.memory_space<hbm>>
    %dma_wait3A_8 = tpu.memref_slice %arg3[%mul3A_2] : memref<131072xf32, #tpu.memory_space<hbm>> -> memref<4096xf32, #tpu.memory_space<hbm>>
    tpu.wait_dma2 semaphore(%arg11 : memref<!tpu.dma_semaphore, #tpu.memory_space<semaphore_mem>>) src(%dma_wait3A_8 : memref<4096xf32, #tpu.memory_space<hbm>>) dst(%arg7 : memref<4096xf32, #tpu.memory_space<vmem>>)
    %broadcast_in_dim3A = arith.constant 0.000000e+00 : f32
    %broadcast_in_dim3A_9 = vector.broadcast %broadcast_in_dim3A : f32 to vector<16xf32>
    %scan3A = arith.constant 0 : i32
    %scan3A_10 = arith.constant 256 : i32
    %scan3A_11 = arith.addi %scan3A, %scan3A_10 : i32
    %scan3A_12 = arith.constant 1 : i32
    %scan3A_13:24 = scf.for %scan3A_158 = %scan3A to %scan3A_11 step %scan3A_12 iter_args(%scan3A_159 = %broadcast_in_dim3A_9, %scan3A_160 = %broadcast_in_dim3A_9, %scan3A_161 = %broadcast_in_dim3A_9, %scan3A_162 = %broadcast_in_dim3A_9, %scan3A_163 = %broadcast_in_dim3A_9, %scan3A_164 = %broadcast_in_dim3A_9, %scan3A_165 = %broadcast_in_dim3A_9, %scan3A_166 = %broadcast_in_dim3A_9, %scan3A_167 = %broadcast_in_dim3A_9, %scan3A_168 = %broadcast_in_dim3A_9, %scan3A_169 = %broadcast_in_dim3A_9, %scan3A_170 = %broadcast_in_dim3A_9, %scan3A_171 = %broadcast_in_dim3A_9, %scan3A_172 = %broadcast_in_dim3A_9, %scan3A_173 = %broadcast_in_dim3A_9, %scan3A_174 = %broadcast_in_dim3A_9, %scan3A_175 = %broadcast_in_dim3A_9, %scan3A_176 = %broadcast_in_dim3A_9, %scan3A_177 = %broadcast_in_dim3A_9, %scan3A_178 = %broadcast_in_dim3A_9, %scan3A_179 = %broadcast_in_dim3A_9, %scan3A_180 = %broadcast_in_dim3A_9, %scan3A_181 = %broadcast_in_dim3A_9, %scan3A_182 = %broadcast_in_dim3A_9) -> (vector<16xf32>, vector<16xf32>, vector<16xf32>, vector<16xf32>, vector<16xf32>, vector<16xf32>, vector<16xf32>, vector<16xf32>, vector<16xf32>, vector<16xf32>, vector<16xf32>, vector<16xf32>, vector<16xf32>, vector<16xf32>, vector<16xf32>, vector<16xf32>, vector<16xf32>, vector<16xf32>, vector<16xf32>, vector<16xf32>, vector<16xf32>, vector<16xf32>, vector<16xf32>, vector<16xf32>)  : i32 {
      %mul3A_183 = arith.constant 16 : i32
      %mul3A_184 = arith.muli %scan3A_158, %mul3A_183 : i32
      %get3A = arith.index_cast %mul3A_184 : i32 to index
      %get3A_185 = tpu.vector_load %arg6[%get3A] {strides = array<i32>} : memref<4096xf32, #tpu.memory_space<vmem>>, vector<16xf32>,
      %get3A_186 = vector.shape_cast %get3A_185 : vector<16xf32> to vector<16xf32>
      %mul3A_187 = arith.constant 16 : i32
      %mul3A_188 = arith.muli %scan3A_158, %mul3A_187 : i32
      %get3A_189 = arith.index_cast %mul3A_188 : i32 to index
      %get3A_190 = tpu.vector_load %arg7[%get3A_189] {strides = array<i32>} : memref<4096xf32, #tpu.memory_space<vmem>>, vector<16xf32>,
      %get3A_191 = vector.shape_cast %get3A_190 : vector<16xf32> to vector<16xf32>
      %mul3A_192 = arith.constant 16 : i32
      %mul3A_193 = arith.muli %scan3A_158, %mul3A_192 : i32
      %get3A_194 = arith.index_cast %mul3A_193 : i32 to index
      %get3A_195 = tpu.vector_load %arg8[%get3A_194] {strides = array<i32>} : memref<4096xf32, #tpu.memory_space<vmem>>, vector<16xf32>,
      %get3A_196 = vector.shape_cast %get3A_195 : vector<16xf32> to vector<16xf32>
      %eq3A = arith.constant 0.000000e+00 : f32
      %eq3A_197 = vector.broadcast %eq3A : f32 to vector<16xf32>
      %eq3A_198 = arith.cmpf oeq, %get3A_186, %eq3A_197 : vector<16xf32>
      %jit3A = arith.constant 1.000000e+00 : f32
      %jit3A_199 = arith.constant 0.000000e+00 : f32
      %broadcast_in_dim3A_200 = vector.broadcast %jit3A : f32 to vector<16xf32>
      %broadcast_in_dim3A_201 = vector.broadcast %jit3A_199 : f32 to vector<16xf32>
      %select_n3A = arith.select %eq3A_198, %broadcast_in_dim3A_200, %broadcast_in_dim3A_201 : vector<16xi1>, vector<16xf32>
      %add3A_202 = arith.addf %scan3A_159, %select_n3A : vector<16xf32>
      %jit3A_203 = arith.constant 0.000000e+00 : f32
      %broadcast_in_dim3A_204 = vector.broadcast %jit3A_203 : f32 to vector<16xf32>
      %select_n3A_205 = arith.select %eq3A_198, %get3A_191, %broadcast_in_dim3A_204 : vector<16xi1>, vector<16xf32>
      %add3A_206 = arith.addf %scan3A_167, %select_n3A_205 : vector<16xf32>
      %jit3A_207 = arith.constant 0.000000e+00 : f32
      %broadcast_in_dim3A_208 = vector.broadcast %jit3A_207 : f32 to vector<16xf32>
      %select_n3A_209 = arith.select %eq3A_198, %get3A_196, %broadcast_in_dim3A_208 : vector<16xi1>, vector<16xf32>
      %add3A_210 = arith.addf %scan3A_175, %select_n3A_209 : vector<16xf32>
      %eq3A_211 = arith.constant 1.000000e+00 : f32
      %eq3A_212 = vector.broadcast %eq3A_211 : f32 to vector<16xf32>
      %eq3A_213 = arith.cmpf oeq, %get3A_186, %eq3A_212 : vector<16xf32>
      %jit3A_214 = arith.constant 1.000000e+00 : f32
      %jit3A_215 = arith.constant 0.000000e+00 : f32
      %broadcast_in_dim3A_216 = vector.broadcast %jit3A_214 : f32 to vector<16xf32>
      %broadcast_in_dim3A_217 = vector.broadcast %jit3A_215 : f32 to vector<16xf32>
      %select_n3A_218 = arith.select %eq3A_213, %broadcast_in_dim3A_216, %broadcast_in_dim3A_217 : vector<16xi1>, vector<16xf32>
      %add3A_219 = arith.addf %scan3A_160, %select_n3A_218 : vector<16xf32>
      %jit3A_220 = arith.constant 0.000000e+00 : f32
      %broadcast_in_dim3A_221 = vector.broadcast %jit3A_220 : f32 to vector<16xf32>
      %select_n3A_222 = arith.select %eq3A_213, %get3A_191, %broadcast_in_dim3A_221 : vector<16xi1>, vector<16xf32>
      %add3A_223 = arith.addf %scan3A_168, %select_n3A_222 : vector<16xf32>
      %jit3A_224 = arith.constant 0.000000e+00 : f32
      %broadcast_in_dim3A_225 = vector.broadcast %jit3A_224 : f32 to vector<16xf32>
      %select_n3A_226 = arith.select %eq3A_213, %get3A_196, %broadcast_in_dim3A_225 : vector<16xi1>, vector<16xf32>
      %add3A_227 = arith.addf %scan3A_176, %select_n3A_226 : vector<16xf32>
      %eq3A_228 = arith.constant 2.000000e+00 : f32
      %eq3A_229 = vector.broadcast %eq3A_228 : f32 to vector<16xf32>
      %eq3A_230 = arith.cmpf oeq, %get3A_186, %eq3A_229 : vector<16xf32>
      %jit3A_231 = arith.constant 1.000000e+00 : f32
      %jit3A_232 = arith.constant 0.000000e+00 : f32
      %broadcast_in_dim3A_233 = vector.broadcast %jit3A_231 : f32 to vector<16xf32>
      %broadcast_in_dim3A_234 = vector.broadcast %jit3A_232 : f32 to vector<16xf32>
      %select_n3A_235 = arith.select %eq3A_230, %broadcast_in_dim3A_233, %broadcast_in_dim3A_234 : vector<16xi1>, vector<16xf32>
      %add3A_236 = arith.addf %scan3A_161, %select_n3A_235 : vector<16xf32>
      %jit3A_237 = arith.constant 0.000000e+00 : f32
      %broadcast_in_dim3A_238 = vector.broadcast %jit3A_237 : f32 to vector<16xf32>
      %select_n3A_239 = arith.select %eq3A_230, %get3A_191, %broadcast_in_dim3A_238 : vector<16xi1>, vector<16xf32>
      %add3A_240 = arith.addf %scan3A_169, %select_n3A_239 : vector<16xf32>
      %jit3A_241 = arith.constant 0.000000e+00 : f32
      %broadcast_in_dim3A_242 = vector.broadcast %jit3A_241 : f32 to vector<16xf32>
      %select_n3A_243 = arith.select %eq3A_230, %get3A_196, %broadcast_in_dim3A_242 : vector<16xi1>, vector<16xf32>
      %add3A_244 = arith.addf %scan3A_177, %select_n3A_243 : vector<16xf32>
      %eq3A_245 = arith.constant 3.000000e+00 : f32
      %eq3A_246 = vector.broadcast %eq3A_245 : f32 to vector<16xf32>
      %eq3A_247 = arith.cmpf oeq, %get3A_186, %eq3A_246 : vector<16xf32>
      %jit3A_248 = arith.constant 1.000000e+00 : f32
      %jit3A_249 = arith.constant 0.000000e+00 : f32
      %broadcast_in_dim3A_250 = vector.broadcast %jit3A_248 : f32 to vector<16xf32>
      %broadcast_in_dim3A_251 = vector.broadcast %jit3A_249 : f32 to vector<16xf32>
      %select_n3A_252 = arith.select %eq3A_247, %broadcast_in_dim3A_250, %broadcast_in_dim3A_251 : vector<16xi1>, vector<16xf32>
      %add3A_253 = arith.addf %scan3A_162, %select_n3A_252 : vector<16xf32>
      %jit3A_254 = arith.constant 0.000000e+00 : f32
      %broadcast_in_dim3A_255 = vector.broadcast %jit3A_254 : f32 to vector<16xf32>
      %select_n3A_256 = arith.select %eq3A_247, %get3A_191, %broadcast_in_dim3A_255 : vector<16xi1>, vector<16xf32>
      %add3A_257 = arith.addf %scan3A_170, %select_n3A_256 : vector<16xf32>
      %jit3A_258 = arith.constant 0.000000e+00 : f32
      %broadcast_in_dim3A_259 = vector.broadcast %jit3A_258 : f32 to vector<16xf32>
      %select_n3A_260 = arith.select %eq3A_247, %get3A_196, %broadcast_in_dim3A_259 : vector<16xi1>, vector<16xf32>
      %add3A_261 = arith.addf %scan3A_178, %select_n3A_260 : vector<16xf32>
      %eq3A_262 = arith.constant 4.000000e+00 : f32
      %eq3A_263 = vector.broadcast %eq3A_262 : f32 to vector<16xf32>
      %eq3A_264 = arith.cmpf oeq, %get3A_186, %eq3A_263 : vector<16xf32>
      %jit3A_265 = arith.constant 1.000000e+00 : f32
      %jit3A_266 = arith.constant 0.000000e+00 : f32
      %broadcast_in_dim3A_267 = vector.broadcast %jit3A_265 : f32 to vector<16xf32>
      %broadcast_in_dim3A_268 = vector.broadcast %jit3A_266 : f32 to vector<16xf32>
      %select_n3A_269 = arith.select %eq3A_264, %broadcast_in_dim3A_267, %broadcast_in_dim3A_268 : vector<16xi1>, vector<16xf32>
      %add3A_270 = arith.addf %scan3A_163, %select_n3A_269 : vector<16xf32>
      %jit3A_271 = arith.constant 0.000000e+00 : f32
      %broadcast_in_dim3A_272 = vector.broadcast %jit3A_271 : f32 to vector<16xf32>
      %select_n3A_273 = arith.select %eq3A_264, %get3A_191, %broadcast_in_dim3A_272 : vector<16xi1>, vector<16xf32>
      %add3A_274 = arith.addf %scan3A_171, %select_n3A_273 : vector<16xf32>
      %jit3A_275 = arith.constant 0.000000e+00 : f32
      %broadcast_in_dim3A_276 = vector.broadcast %jit3A_275 : f32 to vector<16xf32>
      %select_n3A_277 = arith.select %eq3A_264, %get3A_196, %broadcast_in_dim3A_276 : vector<16xi1>, vector<16xf32>
      %add3A_278 = arith.addf %scan3A_179, %select_n3A_277 : vector<16xf32>
      %eq3A_279 = arith.constant 5.000000e+00 : f32
      %eq3A_280 = vector.broadcast %eq3A_279 : f32 to vector<16xf32>
      %eq3A_281 = arith.cmpf oeq, %get3A_186, %eq3A_280 : vector<16xf32>
      %jit3A_282 = arith.constant 1.000000e+00 : f32
      %jit3A_283 = arith.constant 0.000000e+00 : f32
      %broadcast_in_dim3A_284 = vector.broadcast %jit3A_282 : f32 to vector<16xf32>
      %broadcast_in_dim3A_285 = vector.broadcast %jit3A_283 : f32 to vector<16xf32>
      %select_n3A_286 = arith.select %eq3A_281, %broadcast_in_dim3A_284, %broadcast_in_dim3A_285 : vector<16xi1>, vector<16xf32>
      %add3A_287 = arith.addf %scan3A_164, %select_n3A_286 : vector<16xf32>
      %jit3A_288 = arith.constant 0.000000e+00 : f32
      %broadcast_in_dim3A_289 = vector.broadcast %jit3A_288 : f32 to vector<16xf32>
      %select_n3A_290 = arith.select %eq3A_281, %get3A_191, %broadcast_in_dim3A_289 : vector<16xi1>, vector<16xf32>
      %add3A_291 = arith.addf %scan3A_172, %select_n3A_290 : vector<16xf32>
      %jit3A_292 = arith.constant 0.000000e+00 : f32
      %broadcast_in_dim3A_293 = vector.broadcast %jit3A_292 : f32 to vector<16xf32>
      %select_n3A_294 = arith.select %eq3A_281, %get3A_196, %broadcast_in_dim3A_293 : vector<16xi1>, vector<16xf32>
      %add3A_295 = arith.addf %scan3A_180, %select_n3A_294 : vector<16xf32>
      %eq3A_296 = arith.constant 6.000000e+00 : f32
      %eq3A_297 = vector.broadcast %eq3A_296 : f32 to vector<16xf32>
      %eq3A_298 = arith.cmpf oeq, %get3A_186, %eq3A_297 : vector<16xf32>
      %jit3A_299 = arith.constant 1.000000e+00 : f32
      %jit3A_300 = arith.constant 0.000000e+00 : f32
      %broadcast_in_dim3A_301 = vector.broadcast %jit3A_299 : f32 to vector<16xf32>
      %broadcast_in_dim3A_302 = vector.broadcast %jit3A_300 : f32 to vector<16xf32>
      %select_n3A_303 = arith.select %eq3A_298, %broadcast_in_dim3A_301, %broadcast_in_dim3A_302 : vector<16xi1>, vector<16xf32>
      %add3A_304 = arith.addf %scan3A_165, %select_n3A_303 : vector<16xf32>
      %jit3A_305 = arith.constant 0.000000e+00 : f32
      %broadcast_in_dim3A_306 = vector.broadcast %jit3A_305 : f32 to vector<16xf32>
      %select_n3A_307 = arith.select %eq3A_298, %get3A_191, %broadcast_in_dim3A_306 : vector<16xi1>, vector<16xf32>
      %add3A_308 = arith.addf %scan3A_173, %select_n3A_307 : vector<16xf32>
      %jit3A_309 = arith.constant 0.000000e+00 : f32
      %broadcast_in_dim3A_310 = vector.broadcast %jit3A_309 : f32 to vector<16xf32>
      %select_n3A_311 = arith.select %eq3A_298, %get3A_196, %broadcast_in_dim3A_310 : vector<16xi1>, vector<16xf32>
      %add3A_312 = arith.addf %scan3A_181, %select_n3A_311 : vector<16xf32>
      %eq3A_313 = arith.constant 7.000000e+00 : f32
      %eq3A_314 = vector.broadcast %eq3A_313 : f32 to vector<16xf32>
      %eq3A_315 = arith.cmpf oeq, %get3A_186, %eq3A_314 : vector<16xf32>
      %jit3A_316 = arith.constant 1.000000e+00 : f32
      %jit3A_317 = arith.constant 0.000000e+00 : f32
      %broadcast_in_dim3A_318 = vector.broadcast %jit3A_316 : f32 to vector<16xf32>
      %broadcast_in_dim3A_319 = vector.broadcast %jit3A_317 : f32 to vector<16xf32>
      %select_n3A_320 = arith.select %eq3A_315, %broadcast_in_dim3A_318, %broadcast_in_dim3A_319 : vector<16xi1>, vector<16xf32>
      %add3A_321 = arith.addf %scan3A_166, %select_n3A_320 : vector<16xf32>
      %jit3A_322 = arith.constant 0.000000e+00 : f32
      %broadcast_in_dim3A_323 = vector.broadcast %jit3A_322 : f32 to vector<16xf32>
      %select_n3A_324 = arith.select %eq3A_315, %get3A_191, %broadcast_in_dim3A_323 : vector<16xi1>, vector<16xf32>
      %add3A_325 = arith.addf %scan3A_174, %select_n3A_324 : vector<16xf32>
      %jit3A_326 = arith.constant 0.000000e+00 : f32
      %broadcast_in_dim3A_327 = vector.broadcast %jit3A_326 : f32 to vector<16xf32>
      %select_n3A_328 = arith.select %eq3A_315, %get3A_196, %broadcast_in_dim3A_327 : vector<16xi1>, vector<16xf32>
      %add3A_329 = arith.addf %scan3A_182, %select_n3A_328 : vector<16xf32>
      scf.yield %add3A_202, %add3A_219, %add3A_236, %add3A_253, %add3A_270, %add3A_287, %add3A_304, %add3A_321, %add3A_206, %add3A_223, %add3A_240, %add3A_257, %add3A_274, %add3A_291, %add3A_308, %add3A_325, %add3A_210, %add3A_227, %add3A_244, %add3A_261, %add3A_278, %add3A_295, %add3A_312, %add3A_329 : vector<16xf32>, vector<16xf32>, vector<16xf32>, vector<16xf32>, vector<16xf32>, vector<16xf32>, vector<16xf32>, vector<16xf32>, vector<16xf32>, vector<16xf32>, vector<16xf32>, vector<16xf32>, vector<16xf32>, vector<16xf32>, vector<16xf32>, vector<16xf32>, vector<16xf32>, vector<16xf32>, vector<16xf32>, vector<16xf32>, vector<16xf32>, vector<16xf32>, vector<16xf32>, vector<16xf32>
    }
    %scan3A_14 = arith.constant 256 : i32
    %swap3A = arith.constant 0 : i32
    %swap3A_15 = arith.index_cast %swap3A : i32 to index
    %swap3A_16 = arith.constant 0 : index
    %swap3A_17 = tpu.vector_load %arg9[%swap3A_15, %swap3A_16] {strides = array<i32>} : memref<24x16xf32, #tpu.memory_space<vmem>>, vector<1x16xf32>,
    %swap3A_18 = vector.shape_cast %swap3A_17 : vector<1x16xf32> to vector<16xf32>
    %swap3A_19 = vector.shape_cast %scan3A_13#0 : vector<16xf32> to vector<1x16xf32>
    tpu.vector_store %arg9[%swap3A_15, %swap3A_16], %swap3A_19 {strides = array<i32>} : memref<24x16xf32, #tpu.memory_space<vmem>>, vector<1x16xf32>,
    %swap3A_20 = arith.constant 1 : i32
    %swap3A_21 = arith.index_cast %swap3A_20 : i32 to index
    %swap3A_22 = arith.constant 0 : index
    %swap3A_23 = tpu.vector_load %arg9[%swap3A_21, %swap3A_22] {strides = array<i32>} : memref<24x16xf32, #tpu.memory_space<vmem>>, vector<1x16xf32>,
    %swap3A_24 = vector.shape_cast %swap3A_23 : vector<1x16xf32> to vector<16xf32>
    %swap3A_25 = vector.shape_cast %scan3A_13#1 : vector<16xf32> to vector<1x16xf32>
    tpu.vector_store %arg9[%swap3A_21, %swap3A_22], %swap3A_25 {strides = array<i32>} : memref<24x16xf32, #tpu.memory_space<vmem>>, vector<1x16xf32>,
    %swap3A_26 = arith.constant 2 : i32
    %swap3A_27 = arith.index_cast %swap3A_26 : i32 to index
    %swap3A_28 = arith.constant 0 : index
    %swap3A_29 = tpu.vector_load %arg9[%swap3A_27, %swap3A_28] {strides = array<i32>} : memref<24x16xf32, #tpu.memory_space<vmem>>, vector<1x16xf32>,
    %swap3A_30 = vector.shape_cast %swap3A_29 : vector<1x16xf32> to vector<16xf32>
    %swap3A_31 = vector.shape_cast %scan3A_13#2 : vector<16xf32> to vector<1x16xf32>
    tpu.vector_store %arg9[%swap3A_27, %swap3A_28], %swap3A_31 {strides = array<i32>} : memref<24x16xf32, #tpu.memory_space<vmem>>, vector<1x16xf32>,
    %swap3A_32 = arith.constant 3 : i32
    %swap3A_33 = arith.index_cast %swap3A_32 : i32 to index
    %swap3A_34 = arith.constant 0 : index
    %swap3A_35 = tpu.vector_load %arg9[%swap3A_33, %swap3A_34] {strides = array<i32>} : memref<24x16xf32, #tpu.memory_space<vmem>>, vector<1x16xf32>,
    %swap3A_36 = vector.shape_cast %swap3A_35 : vector<1x16xf32> to vector<16xf32>
    %swap3A_37 = vector.shape_cast %scan3A_13#3 : vector<16xf32> to vector<1x16xf32>
    tpu.vector_store %arg9[%swap3A_33, %swap3A_34], %swap3A_37 {strides = array<i32>} : memref<24x16xf32, #tpu.memory_space<vmem>>, vector<1x16xf32>,
    %swap3A_38 = arith.constant 4 : i32
    %swap3A_39 = arith.index_cast %swap3A_38 : i32 to index
    %swap3A_40 = arith.constant 0 : index
    %swap3A_41 = tpu.vector_load %arg9[%swap3A_39, %swap3A_40] {strides = array<i32>} : memref<24x16xf32, #tpu.memory_space<vmem>>, vector<1x16xf32>,
    %swap3A_42 = vector.shape_cast %swap3A_41 : vector<1x16xf32> to vector<16xf32>
    %swap3A_43 = vector.shape_cast %scan3A_13#4 : vector<16xf32> to vector<1x16xf32>
    tpu.vector_store %arg9[%swap3A_39, %swap3A_40], %swap3A_43 {strides = array<i32>} : memref<24x16xf32, #tpu.memory_space<vmem>>, vector<1x16xf32>,
    %swap3A_44 = arith.constant 5 : i32
    %swap3A_45 = arith.index_cast %swap3A_44 : i32 to index
    %swap3A_46 = arith.constant 0 : index
    %swap3A_47 = tpu.vector_load %arg9[%swap3A_45, %swap3A_46] {strides = array<i32>} : memref<24x16xf32, #tpu.memory_space<vmem>>, vector<1x16xf32>,
    %swap3A_48 = vector.shape_cast %swap3A_47 : vector<1x16xf32> to vector<16xf32>
    %swap3A_49 = vector.shape_cast %scan3A_13#5 : vector<16xf32> to vector<1x16xf32>
    tpu.vector_store %arg9[%swap3A_45, %swap3A_46], %swap3A_49 {strides = array<i32>} : memref<24x16xf32, #tpu.memory_space<vmem>>, vector<1x16xf32>,
    %swap3A_50 = arith.constant 6 : i32
    %swap3A_51 = arith.index_cast %swap3A_50 : i32 to index
    %swap3A_52 = arith.constant 0 : index
    %swap3A_53 = tpu.vector_load %arg9[%swap3A_51, %swap3A_52] {strides = array<i32>} : memref<24x16xf32, #tpu.memory_space<vmem>>, vector<1x16xf32>,
    %swap3A_54 = vector.shape_cast %swap3A_53 : vector<1x16xf32> to vector<16xf32>
    %swap3A_55 = vector.shape_cast %scan3A_13#6 : vector<16xf32> to vector<1x16xf32>
    tpu.vector_store %arg9[%swap3A_51, %swap3A_52], %swap3A_55 {strides = array<i32>} : memref<24x16xf32, #tpu.memory_space<vmem>>, vector<1x16xf32>,
    %swap3A_56 = arith.constant 7 : i32
    %swap3A_57 = arith.index_cast %swap3A_56 : i32 to index
    %swap3A_58 = arith.constant 0 : index
    %swap3A_59 = tpu.vector_load %arg9[%swap3A_57, %swap3A_58] {strides = array<i32>} : memref<24x16xf32, #tpu.memory_space<vmem>>, vector<1x16xf32>,
    %swap3A_60 = vector.shape_cast %swap3A_59 : vector<1x16xf32> to vector<16xf32>
    %swap3A_61 = vector.shape_cast %scan3A_13#7 : vector<16xf32> to vector<1x16xf32>
    tpu.vector_store %arg9[%swap3A_57, %swap3A_58], %swap3A_61 {strides = array<i32>} : memref<24x16xf32, #tpu.memory_space<vmem>>, vector<1x16xf32>,
    %swap3A_62 = arith.constant 8 : i32
    %swap3A_63 = arith.index_cast %swap3A_62 : i32 to index
    %swap3A_64 = arith.constant 0 : index
    %swap3A_65 = tpu.vector_load %arg9[%swap3A_63, %swap3A_64] {strides = array<i32>} : memref<24x16xf32, #tpu.memory_space<vmem>>, vector<1x16xf32>,
    %swap3A_66 = vector.shape_cast %swap3A_65 : vector<1x16xf32> to vector<16xf32>
    %swap3A_67 = vector.shape_cast %scan3A_13#8 : vector<16xf32> to vector<1x16xf32>
    tpu.vector_store %arg9[%swap3A_63, %swap3A_64], %swap3A_67 {strides = array<i32>} : memref<24x16xf32, #tpu.memory_space<vmem>>, vector<1x16xf32>,
    %swap3A_68 = arith.constant 9 : i32
    %swap3A_69 = arith.index_cast %swap3A_68 : i32 to index
    %swap3A_70 = arith.constant 0 : index
    %swap3A_71 = tpu.vector_load %arg9[%swap3A_69, %swap3A_70] {strides = array<i32>} : memref<24x16xf32, #tpu.memory_space<vmem>>, vector<1x16xf32>,
    %swap3A_72 = vector.shape_cast %swap3A_71 : vector<1x16xf32> to vector<16xf32>
    %swap3A_73 = vector.shape_cast %scan3A_13#9 : vector<16xf32> to vector<1x16xf32>
    tpu.vector_store %arg9[%swap3A_69, %swap3A_70], %swap3A_73 {strides = array<i32>} : memref<24x16xf32, #tpu.memory_space<vmem>>, vector<1x16xf32>,
    %swap3A_74 = arith.constant 10 : i32
    %swap3A_75 = arith.index_cast %swap3A_74 : i32 to index
    %swap3A_76 = arith.constant 0 : index
    %swap3A_77 = tpu.vector_load %arg9[%swap3A_75, %swap3A_76] {strides = array<i32>} : memref<24x16xf32, #tpu.memory_space<vmem>>, vector<1x16xf32>,
    %swap3A_78 = vector.shape_cast %swap3A_77 : vector<1x16xf32> to vector<16xf32>
    %swap3A_79 = vector.shape_cast %scan3A_13#10 : vector<16xf32> to vector<1x16xf32>
    tpu.vector_store %arg9[%swap3A_75, %swap3A_76], %swap3A_79 {strides = array<i32>} : memref<24x16xf32, #tpu.memory_space<vmem>>, vector<1x16xf32>,
    %swap3A_80 = arith.constant 11 : i32
    %swap3A_81 = arith.index_cast %swap3A_80 : i32 to index
    %swap3A_82 = arith.constant 0 : index
    %swap3A_83 = tpu.vector_load %arg9[%swap3A_81, %swap3A_82] {strides = array<i32>} : memref<24x16xf32, #tpu.memory_space<vmem>>, vector<1x16xf32>,
    %swap3A_84 = vector.shape_cast %swap3A_83 : vector<1x16xf32> to vector<16xf32>
    %swap3A_85 = vector.shape_cast %scan3A_13#11 : vector<16xf32> to vector<1x16xf32>
    tpu.vector_store %arg9[%swap3A_81, %swap3A_82], %swap3A_85 {strides = array<i32>} : memref<24x16xf32, #tpu.memory_space<vmem>>, vector<1x16xf32>,
    %swap3A_86 = arith.constant 12 : i32
    %swap3A_87 = arith.index_cast %swap3A_86 : i32 to index
    %swap3A_88 = arith.constant 0 : index
    %swap3A_89 = tpu.vector_load %arg9[%swap3A_87, %swap3A_88] {strides = array<i32>} : memref<24x16xf32, #tpu.memory_space<vmem>>, vector<1x16xf32>,
    %swap3A_90 = vector.shape_cast %swap3A_89 : vector<1x16xf32> to vector<16xf32>
    %swap3A_91 = vector.shape_cast %scan3A_13#12 : vector<16xf32> to vector<1x16xf32>
    tpu.vector_store %arg9[%swap3A_87, %swap3A_88], %swap3A_91 {strides = array<i32>} : memref<24x16xf32, #tpu.memory_space<vmem>>, vector<1x16xf32>,
    %swap3A_92 = arith.constant 13 : i32
    %swap3A_93 = arith.index_cast %swap3A_92 : i32 to index
    %swap3A_94 = arith.constant 0 : index
    %swap3A_95 = tpu.vector_load %arg9[%swap3A_93, %swap3A_94] {strides = array<i32>} : memref<24x16xf32, #tpu.memory_space<vmem>>, vector<1x16xf32>,
    %swap3A_96 = vector.shape_cast %swap3A_95 : vector<1x16xf32> to vector<16xf32>
    %swap3A_97 = vector.shape_cast %scan3A_13#13 : vector<16xf32> to vector<1x16xf32>
    tpu.vector_store %arg9[%swap3A_93, %swap3A_94], %swap3A_97 {strides = array<i32>} : memref<24x16xf32, #tpu.memory_space<vmem>>, vector<1x16xf32>,
    %swap3A_98 = arith.constant 14 : i32
    %swap3A_99 = arith.index_cast %swap3A_98 : i32 to index
    %swap3A_100 = arith.constant 0 : index
    %swap3A_101 = tpu.vector_load %arg9[%swap3A_99, %swap3A_100] {strides = array<i32>} : memref<24x16xf32, #tpu.memory_space<vmem>>, vector<1x16xf32>,
    %swap3A_102 = vector.shape_cast %swap3A_101 : vector<1x16xf32> to vector<16xf32>
    %swap3A_103 = vector.shape_cast %scan3A_13#14 : vector<16xf32> to vector<1x16xf32>
    tpu.vector_store %arg9[%swap3A_99, %swap3A_100], %swap3A_103 {strides = array<i32>} : memref<24x16xf32, #tpu.memory_space<vmem>>, vector<1x16xf32>,
    %swap3A_104 = arith.constant 15 : i32
    %swap3A_105 = arith.index_cast %swap3A_104 : i32 to index
    %swap3A_106 = arith.constant 0 : index
    %swap3A_107 = tpu.vector_load %arg9[%swap3A_105, %swap3A_106] {strides = array<i32>} : memref<24x16xf32, #tpu.memory_space<vmem>>, vector<1x16xf32>,
    %swap3A_108 = vector.shape_cast %swap3A_107 : vector<1x16xf32> to vector<16xf32>
    %swap3A_109 = vector.shape_cast %scan3A_13#15 : vector<16xf32> to vector<1x16xf32>
    tpu.vector_store %arg9[%swap3A_105, %swap3A_106], %swap3A_109 {strides = array<i32>} : memref<24x16xf32, #tpu.memory_space<vmem>>, vector<1x16xf32>,
    %swap3A_110 = arith.constant 16 : i32
    %swap3A_111 = arith.index_cast %swap3A_110 : i32 to index
    %swap3A_112 = arith.constant 0 : index
    %swap3A_113 = tpu.vector_load %arg9[%swap3A_111, %swap3A_112] {strides = array<i32>} : memref<24x16xf32, #tpu.memory_space<vmem>>, vector<1x16xf32>,
    %swap3A_114 = vector.shape_cast %swap3A_113 : vector<1x16xf32> to vector<16xf32>
    %swap3A_115 = vector.shape_cast %scan3A_13#16 : vector<16xf32> to vector<1x16xf32>
    tpu.vector_store %arg9[%swap3A_111, %swap3A_112], %swap3A_115 {strides = array<i32>} : memref<24x16xf32, #tpu.memory_space<vmem>>, vector<1x16xf32>,
    %swap3A_116 = arith.constant 17 : i32
    %swap3A_117 = arith.index_cast %swap3A_116 : i32 to index
    %swap3A_118 = arith.constant 0 : index
    %swap3A_119 = tpu.vector_load %arg9[%swap3A_117, %swap3A_118] {strides = array<i32>} : memref<24x16xf32, #tpu.memory_space<vmem>>, vector<1x16xf32>,
    %swap3A_120 = vector.shape_cast %swap3A_119 : vector<1x16xf32> to vector<16xf32>
    %swap3A_121 = vector.shape_cast %scan3A_13#17 : vector<16xf32> to vector<1x16xf32>
    tpu.vector_store %arg9[%swap3A_117, %swap3A_118], %swap3A_121 {strides = array<i32>} : memref<24x16xf32, #tpu.memory_space<vmem>>, vector<1x16xf32>,
    %swap3A_122 = arith.constant 18 : i32
    %swap3A_123 = arith.index_cast %swap3A_122 : i32 to index
    %swap3A_124 = arith.constant 0 : index
    %swap3A_125 = tpu.vector_load %arg9[%swap3A_123, %swap3A_124] {strides = array<i32>} : memref<24x16xf32, #tpu.memory_space<vmem>>, vector<1x16xf32>,
    %swap3A_126 = vector.shape_cast %swap3A_125 : vector<1x16xf32> to vector<16xf32>
    %swap3A_127 = vector.shape_cast %scan3A_13#18 : vector<16xf32> to vector<1x16xf32>
    tpu.vector_store %arg9[%swap3A_123, %swap3A_124], %swap3A_127 {strides = array<i32>} : memref<24x16xf32, #tpu.memory_space<vmem>>, vector<1x16xf32>,
    %swap3A_128 = arith.constant 19 : i32
    %swap3A_129 = arith.index_cast %swap3A_128 : i32 to index
    %swap3A_130 = arith.constant 0 : index
    %swap3A_131 = tpu.vector_load %arg9[%swap3A_129, %swap3A_130] {strides = array<i32>} : memref<24x16xf32, #tpu.memory_space<vmem>>, vector<1x16xf32>,
    %swap3A_132 = vector.shape_cast %swap3A_131 : vector<1x16xf32> to vector<16xf32>
    %swap3A_133 = vector.shape_cast %scan3A_13#19 : vector<16xf32> to vector<1x16xf32>
    tpu.vector_store %arg9[%swap3A_129, %swap3A_130], %swap3A_133 {strides = array<i32>} : memref<24x16xf32, #tpu.memory_space<vmem>>, vector<1x16xf32>,
    %swap3A_134 = arith.constant 20 : i32
    %swap3A_135 = arith.index_cast %swap3A_134 : i32 to index
    %swap3A_136 = arith.constant 0 : index
    %swap3A_137 = tpu.vector_load %arg9[%swap3A_135, %swap3A_136] {strides = array<i32>} : memref<24x16xf32, #tpu.memory_space<vmem>>, vector<1x16xf32>,
    %swap3A_138 = vector.shape_cast %swap3A_137 : vector<1x16xf32> to vector<16xf32>
    %swap3A_139 = vector.shape_cast %scan3A_13#20 : vector<16xf32> to vector<1x16xf32>
    tpu.vector_store %arg9[%swap3A_135, %swap3A_136], %swap3A_139 {strides = array<i32>} : memref<24x16xf32, #tpu.memory_space<vmem>>, vector<1x16xf32>,
    %swap3A_140 = arith.constant 21 : i32
    %swap3A_141 = arith.index_cast %swap3A_140 : i32 to index
    %swap3A_142 = arith.constant 0 : index
    %swap3A_143 = tpu.vector_load %arg9[%swap3A_141, %swap3A_142] {strides = array<i32>} : memref<24x16xf32, #tpu.memory_space<vmem>>, vector<1x16xf32>,
    %swap3A_144 = vector.shape_cast %swap3A_143 : vector<1x16xf32> to vector<16xf32>
    %swap3A_145 = vector.shape_cast %scan3A_13#21 : vector<16xf32> to vector<1x16xf32>
    tpu.vector_store %arg9[%swap3A_141, %swap3A_142], %swap3A_145 {strides = array<i32>} : memref<24x16xf32, #tpu.memory_space<vmem>>, vector<1x16xf32>,
    %swap3A_146 = arith.constant 22 : i32
    %swap3A_147 = arith.index_cast %swap3A_146 : i32 to index
    %swap3A_148 = arith.constant 0 : index
    %swap3A_149 = tpu.vector_load %arg9[%swap3A_147, %swap3A_148] {strides = array<i32>} : memref<24x16xf32, #tpu.memory_space<vmem>>, vector<1x16xf32>,
    %swap3A_150 = vector.shape_cast %swap3A_149 : vector<1x16xf32> to vector<16xf32>
    %swap3A_151 = vector.shape_cast %scan3A_13#22 : vector<16xf32> to vector<1x16xf32>
    tpu.vector_store %arg9[%swap3A_147, %swap3A_148], %swap3A_151 {strides = array<i32>} : memref<24x16xf32, #tpu.memory_space<vmem>>, vector<1x16xf32>,
    %swap3A_152 = arith.constant 23 : i32
    %swap3A_153 = arith.index_cast %swap3A_152 : i32 to index
    %swap3A_154 = arith.constant 0 : index
    %swap3A_155 = tpu.vector_load %arg9[%swap3A_153, %swap3A_154] {strides = array<i32>} : memref<24x16xf32, #tpu.memory_space<vmem>>, vector<1x16xf32>,
    %swap3A_156 = vector.shape_cast %swap3A_155 : vector<1x16xf32> to vector<16xf32>
    %swap3A_157 = vector.shape_cast %scan3A_13#23 : vector<16xf32> to vector<1x16xf32>
    tpu.vector_store %arg9[%swap3A_153, %swap3A_154], %swap3A_157 {strides = array<i32>} : memref<24x16xf32, #tpu.memory_space<vmem>>, vector<1x16xf32>,
    "tpu.region"() ({
      %run_scoped3A = tpu.sem_alloc : memref<!tpu.dma_semaphore, #tpu.memory_space<semaphore_mem>>
      %dma_start3A_158 = arith.constant 0 : i32
      %dma_start3A_159 = arith.constant 0 : i32
      %dma_start3A_160 = tpu.memref_slice %arg5[%add3A, %dma_start3A_158, %dma_start3A_159] : memref<32x24x16xf32, #tpu.memory_space<hbm>> -> memref<1x24x16xf32, #tpu.memory_space<hbm>>
      %dma_start3A_161 = tpu.memref_squeeze %dma_start3A_160 : memref<1x24x16xf32, #tpu.memory_space<hbm>> -> memref<24x16xf32, #tpu.memory_space<hbm>>
      %dma_start3A_162 = arith.constant 0 : i32
      %dma_start3A_163 = arith.constant 0 : i32
      %dma_start3A_164 = tpu.memref_slice %arg5[%add3A, %dma_start3A_162, %dma_start3A_163] : memref<32x24x16xf32, #tpu.memory_space<hbm>> -> memref<1x24x16xf32, #tpu.memory_space<hbm>>
      %dma_start3A_165 = tpu.memref_squeeze %dma_start3A_164 : memref<1x24x16xf32, #tpu.memory_space<hbm>> -> memref<24x16xf32, #tpu.memory_space<hbm>>
      tpu.enqueue_dma source(%arg9 : memref<24x16xf32, #tpu.memory_space<vmem>>) target(%dma_start3A_165 : memref<24x16xf32, #tpu.memory_space<hbm>>) target_semaphore(%run_scoped3A : memref<!tpu.dma_semaphore, #tpu.memory_space<semaphore_mem>>)
      %dma_wait3A_166 = arith.constant 0 : i32
      %dma_wait3A_167 = arith.constant 0 : i32
      %dma_wait3A_168 = tpu.memref_slice %arg5[%add3A, %dma_wait3A_166, %dma_wait3A_167] : memref<32x24x16xf32, #tpu.memory_space<hbm>> -> memref<1x24x16xf32, #tpu.memory_space<hbm>>
      %dma_wait3A_169 = tpu.memref_squeeze %dma_wait3A_168 : memref<1x24x16xf32, #tpu.memory_space<hbm>> -> memref<24x16xf32, #tpu.memory_space<hbm>>
      %dma_wait3A_170 = arith.constant 0 : i32
      %dma_wait3A_171 = arith.constant 0 : i32
      %dma_wait3A_172 = tpu.memref_slice %arg5[%add3A, %dma_wait3A_170, %dma_wait3A_171] : memref<32x24x16xf32, #tpu.memory_space<hbm>> -> memref<1x24x16xf32, #tpu.memory_space<hbm>>
      %dma_wait3A_173 = tpu.memref_squeeze %dma_wait3A_172 : memref<1x24x16xf32, #tpu.memory_space<hbm>> -> memref<24x16xf32, #tpu.memory_space<hbm>>
      tpu.wait_dma2 semaphore(%run_scoped3A : memref<!tpu.dma_semaphore, #tpu.memory_space<semaphore_mem>>) src(%arg9 : memref<24x16xf32, #tpu.memory_space<vmem>>) dst(%dma_wait3A_173 : memref<24x16xf32, #tpu.memory_space<hbm>>)
      tpu.yield
    }) : () -> ()
    return
  }
}

module attributes {stable_mosaic.version = 14 : i64} {
  func.func @_dense_body(%arg0: i32, %arg1: i32, %arg2: memref<1x4x128x512xf32, #tpu.memory_space<vmem>>, %arg3: memref<1x4x128x512xf32, #tpu.memory_space<vmem>>, %arg4: memref<1x1x128x512xf32, #tpu.memory_space<vmem>>, %arg5: memref<1x1x128x512xf32, #tpu.memory_space<vmem>>, %arg6: memref<1x96x32x128xf32, #tpu.memory_space<vmem>>, %arg7: memref<1x96x32x128xf32, #tpu.memory_space<vmem>>, %arg8: memref<8x512xf32, #tpu.memory_space<vmem>>, %arg9: memref<1x32x128xf32, #tpu.memory_space<vmem>>, %arg10: memref<1x32x128xf32, #tpu.memory_space<vmem>>, %arg11: memref<1x32x128xf32, #tpu.memory_space<vmem>>) attributes {dimension_semantics = [#tpu.dimension_semantics<arbitrary>, #tpu.dimension_semantics<arbitrary>], iteration_bounds = array<i64: 8, 4>, scalar_prefetch = 0 : i64, scratch_operands = 0 : i64, tpu.core_type = #tpu.core_type<tc>, window_params = [{transform_indices = @transform_0, window_bounds = array<i64: 1, 4, 128, 512>}, {transform_indices = @transform_1, window_bounds = array<i64: 1, 4, 128, 512>}, {transform_indices = @transform_2, window_bounds = array<i64: 1, 1, 128, 512>}, {transform_indices = @transform_3, window_bounds = array<i64: 1, 1, 128, 512>}, {transform_indices = @transform_4, window_bounds = array<i64: 1, 96, 32, 128>}, {transform_indices = @transform_5, window_bounds = array<i64: 1, 96, 32, 128>}, {pipeline_mode = #tpu.pipeline_mode<synchronous>, transform_indices = @transform_6, window_bounds = array<i64: 8, 512>}, {transform_indices = @transform_7, window_bounds = array<i64: 1, 32, 128>}, {transform_indices = @transform_8, window_bounds = array<i64: 1, 32, 128>}, {transform_indices = @transform_9, window_bounds = array<i64: 1, 32, 128>}]} {
    %eq3A = arith.constant 0 : i32
    %eq3A_0 = arith.cmpi eq, %arg0, %eq3A : i32
    %eq3A_1 = arith.constant 0 : i32
    %eq3A_2 = arith.cmpi eq, %arg1, %eq3A_1 : i32
    %and3A = arith.andi %eq3A_0, %eq3A_2 : i1
    %convert_element_type3A = arith.extui %and3A : i1 to i32
    %cond3A = arith.constant 0 : i32
    %cond3A_3 = arith.cmpi ne, %convert_element_type3A, %cond3A : i32
    scf.if %cond3A_3 {
      %broadcast_in_dim3A_124 = arith.constant 0.000000e+00 : f32
      %broadcast_in_dim3A_125 = vector.broadcast %broadcast_in_dim3A_124 : f32 to vector<8x512xf32>
      %swap3A_126 = arith.constant 0 : index
      %swap3A_127 = arith.constant 0 : index
      %swap3A_128 = vector.load %arg8[%swap3A_126, %swap3A_127] : memref<8x512xf32, #tpu.memory_space<vmem>>, vector<8x512xf32>
      tpu.vector_store %arg8[%swap3A_126, %swap3A_127], %broadcast_in_dim3A_125 {strides = array<i32>} : memref<8x512xf32, #tpu.memory_space<vmem>>, vector<8x512xf32>,
    } else {
    }
    %get3A = arith.constant 0 : index
    %get3A_4 = arith.constant 0 : index
    %get3A_5 = arith.constant 0 : index
    %get3A_6 = arith.constant 0 : index
    %get3A_7 = vector.load %arg4[%get3A, %get3A_4, %get3A_5, %get3A_6] : memref<1x1x128x512xf32, #tpu.memory_space<vmem>>, vector<1x1x128x512xf32>
    %get3A_8 = vector.shape_cast %get3A_7 : vector<1x1x128x512xf32> to vector<128x512xf32>
    %get3A_9 = arith.constant 0 : index
    %get3A_10 = arith.constant 0 : index
    %get3A_11 = arith.constant 0 : index
    %get3A_12 = arith.constant 0 : index
    %get3A_13 = vector.load %arg2[%get3A_9, %get3A_10, %get3A_11, %get3A_12] : memref<1x4x128x512xf32, #tpu.memory_space<vmem>>, vector<1x4x128x512xf32>
    %get3A_14 = vector.shape_cast %get3A_13 : vector<1x4x128x512xf32> to vector<4x128x512xf32>
    %get3A_15 = arith.constant 0 : index
    %get3A_16 = arith.constant 0 : index
    %get3A_17 = arith.constant 0 : index
    %get3A_18 = arith.constant 0 : index
    %get3A_19 = vector.load %arg3[%get3A_15, %get3A_16, %get3A_17, %get3A_18] : memref<1x4x128x512xf32, #tpu.memory_space<vmem>>, vector<1x4x128x512xf32>
    %get3A_20 = vector.shape_cast %get3A_19 : vector<1x4x128x512xf32> to vector<4x128x512xf32>
    %broadcast_in_dim3A = vector.shape_cast %get3A_8 : vector<128x512xf32> to vector<1x128x512xf32>
    %ge3A = arith.constant 5.000000e-01 : f32
    %ge3A_21 = vector.broadcast %ge3A : f32 to vector<1x128x512xf32>
    %ge3A_22 = arith.cmpf oge, %broadcast_in_dim3A, %ge3A_21 : vector<1x128x512xf32>
    %jit3A = arith.constant 0.000000e+00 : f32
    %broadcast_in_dim3A_23 = vector.shape_cast %ge3A_22 : vector<1x128x512xi1> to vector<1x128x512xi1>
    %broadcast_in_dim3A_24 = vector.broadcast %broadcast_in_dim3A_23 : vector<1x128x512xi1> to vector<4x128x512xi1>
    %broadcast_in_dim3A_25 = vector.broadcast %jit3A : f32 to vector<4x128x512xf32>
    %select_n3A = arith.select %broadcast_in_dim3A_24, %broadcast_in_dim3A_25, %get3A_20 : vector<4x128x512xi1>, vector<4x128x512xf32>
    %sub3A = arith.subf %get3A_14, %select_n3A : vector<4x128x512xf32>
    %mul3A = arith.mulf %sub3A, %sub3A : vector<4x128x512xf32>
    %reduce_sum3A = arith.constant dense<0.000000e+00> : vector<128x512xf32>
    %reduce_sum3A_26 = vector.multi_reduction <add>, %mul3A, %reduce_sum3A [0] : vector<4x128x512xf32> to vector<128x512xf32>
    %gt3A = arith.constant 0.000000e+00 : f32
    %gt3A_27 = vector.broadcast %gt3A : f32 to vector<128x512xf32>
    %gt3A_28 = arith.cmpf ogt, %get3A_8, %gt3A_27 : vector<128x512xf32>
    %jit3A_29 = arith.constant 0.000000e+00 : f32
    %broadcast_in_dim3A_30 = vector.broadcast %jit3A_29 : f32 to vector<128x512xf32>
    %select_n3A_31 = arith.select %gt3A_28, %reduce_sum3A_26, %broadcast_in_dim3A_30 : vector<128x512xi1>, vector<128x512xf32>
    %reduce_sum3A_32 = arith.constant dense<0.000000e+00> : vector<512xf32>
    %reduce_sum3A_33 = vector.multi_reduction <add>, %select_n3A_31, %reduce_sum3A_32 [0] : vector<128x512xf32> to vector<512xf32>
    %convert_element_type3A_34 = arith.extui %gt3A_28 : vector<128x512xi1> to vector<128x512xi32>
    %convert_element_type3A_35 = arith.sitofp %convert_element_type3A_34 : vector<128x512xi32> to vector<128x512xf32>
    %reduce_sum3A_36 = arith.constant dense<0.000000e+00> : vector<512xf32>
    %reduce_sum3A_37 = vector.multi_reduction <add>, %convert_element_type3A_35, %reduce_sum3A_36 [0] : vector<128x512xf32> to vector<512xf32>
    %get3A_38 = arith.constant 0 : index
    %get3A_39 = arith.constant 0 : index
    %get3A_40 = vector.load %arg8[%get3A_38, %get3A_39] : memref<8x512xf32, #tpu.memory_space<vmem>>, vector<1x512xf32>
    %broadcast_in_dim3A_41 = vector.shape_cast %reduce_sum3A_33 : vector<512xf32> to vector<1x512xf32>
    %add3A = arith.addf %get3A_40, %broadcast_in_dim3A_41 : vector<1x512xf32>
    %swap3A = arith.constant 0 : index
    %swap3A_42 = arith.constant 0 : index
    %swap3A_43 = vector.load %arg8[%swap3A, %swap3A_42] : memref<8x512xf32, #tpu.memory_space<vmem>>, vector<1x512xf32>
    tpu.vector_store %arg8[%swap3A, %swap3A_42], %add3A {strides = array<i32>} : memref<8x512xf32, #tpu.memory_space<vmem>>, vector<1x512xf32>,
    %get3A_44 = arith.constant 1 : index
    %get3A_45 = arith.constant 0 : index
    %get3A_46 = vector.load %arg8[%get3A_44, %get3A_45] : memref<8x512xf32, #tpu.memory_space<vmem>>, vector<1x512xf32>
    %broadcast_in_dim3A_47 = vector.shape_cast %reduce_sum3A_37 : vector<512xf32> to vector<1x512xf32>
    %add3A_48 = arith.addf %get3A_46, %broadcast_in_dim3A_47 : vector<1x512xf32>
    %swap3A_49 = arith.constant 1 : index
    %swap3A_50 = arith.constant 0 : index
    %swap3A_51 = vector.load %arg8[%swap3A_49, %swap3A_50] : memref<8x512xf32, #tpu.memory_space<vmem>>, vector<1x512xf32>
    tpu.vector_store %arg8[%swap3A_49, %swap3A_50], %add3A_48 {strides = array<i32>} : memref<8x512xf32, #tpu.memory_space<vmem>>, vector<1x512xf32>,
    %get3A_52 = arith.constant 0 : index
    %get3A_53 = arith.constant 0 : index
    %get3A_54 = arith.constant 0 : index
    %get3A_55 = arith.constant 0 : index
    %get3A_56 = vector.load %arg6[%get3A_52, %get3A_53, %get3A_54, %get3A_55] : memref<1x96x32x128xf32, #tpu.memory_space<vmem>>, vector<1x96x32x128xf32>
    %get3A_57 = vector.shape_cast %get3A_56 : vector<1x96x32x128xf32> to vector<96x32x128xf32>
    %get3A_58 = arith.constant 0 : index
    %get3A_59 = arith.constant 0 : index
    %get3A_60 = arith.constant 0 : index
    %get3A_61 = arith.constant 0 : index
    %get3A_62 = vector.load %arg7[%get3A_58, %get3A_59, %get3A_60, %get3A_61] : memref<1x96x32x128xf32, #tpu.memory_space<vmem>>, vector<1x96x32x128xf32>
    %get3A_63 = vector.shape_cast %get3A_62 : vector<1x96x32x128xf32> to vector<96x32x128xf32>
    %sub3A_64 = arith.subf %get3A_57, %get3A_63 : vector<96x32x128xf32>
    %mul3A_65 = arith.mulf %sub3A_64, %sub3A_64 : vector<96x32x128xf32>
    %reduce_sum3A_66 = arith.constant dense<0.000000e+00> : vector<32x128xf32>
    %reduce_sum3A_67 = vector.multi_reduction <add>, %mul3A_65, %reduce_sum3A_66 [0] : vector<96x32x128xf32> to vector<32x128xf32>
    %div3A = arith.constant 9.600000e+01 : f32
    %div3A_68 = vector.broadcast %div3A : f32 to vector<32x128xf32>
    %div3A_69 = arith.divf %reduce_sum3A_67, %div3A_68 : vector<32x128xf32>
    %swap3A_70 = arith.constant 0 : index
    %swap3A_71 = arith.constant 0 : index
    %swap3A_72 = arith.constant 0 : index
    %swap3A_73 = vector.load %arg9[%swap3A_70, %swap3A_71, %swap3A_72] : memref<1x32x128xf32, #tpu.memory_space<vmem>>, vector<1x32x128xf32>
    %swap3A_74 = vector.shape_cast %swap3A_73 : vector<1x32x128xf32> to vector<32x128xf32>
    %swap3A_75 = vector.shape_cast %div3A_69 : vector<32x128xf32> to vector<1x32x128xf32>
    tpu.vector_store %arg9[%swap3A_70, %swap3A_71, %swap3A_72], %swap3A_75 {strides = array<i32>} : memref<1x32x128xf32, #tpu.memory_space<vmem>>, vector<1x32x128xf32>,
    %iota3A = tpu.iota {dimensions = array<i32: 0>} : vector<32x128xi32>
    %iota3A_76 = tpu.iota {dimensions = array<i32: 1>} : vector<32x128xi32>
    %mul3A_77 = arith.constant 4 : i32
    %mul3A_78 = vector.broadcast %mul3A_77 : i32 to vector<32x128xi32>
    %mul3A_79 = arith.muli %mul3A_78, %iota3A : vector<32x128xi32>
    %eq3A_80 = arith.cmpi eq, %iota3A_76, %mul3A_79 : vector<32x128xi32>
    %convert_element_type3A_81 = arith.extui %eq3A_80 : vector<32x128xi1> to vector<32x128xi32>
    %convert_element_type3A_82 = arith.sitofp %convert_element_type3A_81 : vector<32x128xi32> to vector<32x128xf32>
    %iota3A_83 = tpu.iota {dimensions = array<i32: 0>} : vector<512x128xi32>
    %iota3A_84 = tpu.iota {dimensions = array<i32: 1>} : vector<512x128xi32>
    %mul3A_85 = arith.constant 4 : i32
    %mul3A_86 = vector.broadcast %mul3A_85 : i32 to vector<512x128xi32>
    %mul3A_87 = arith.muli %mul3A_86, %iota3A_84 : vector<512x128xi32>
    %eq3A_88 = arith.cmpi eq, %iota3A_83, %mul3A_87 : vector<512x128xi32>
    %convert_element_type3A_89 = arith.extui %eq3A_88 : vector<512x128xi1> to vector<512x128xi32>
    %convert_element_type3A_90 = arith.sitofp %convert_element_type3A_89 : vector<512x128xi32> to vector<512x128xf32>
    %get3A_91 = arith.constant 0 : index
    %get3A_92 = arith.constant 0 : index
    %get3A_93 = arith.constant 0 : index
    %get3A_94 = arith.constant 0 : index
    %get3A_95 = vector.load %arg5[%get3A_91, %get3A_92, %get3A_93, %get3A_94] : memref<1x1x128x512xf32, #tpu.memory_space<vmem>>, vector<1x1x128x512xf32>
    %get3A_96 = vector.shape_cast %get3A_95 : vector<1x1x128x512xf32> to vector<128x512xf32>
    %lt3A = arith.constant 5.000000e-01 : f32
    %lt3A_97 = vector.broadcast %lt3A : f32 to vector<128x512xf32>
    %lt3A_98 = arith.cmpf olt, %get3A_8, %lt3A_97 : vector<128x512xf32>
    %gt3A_99 = arith.constant 0.000000e+00 : f32
    %gt3A_100 = vector.broadcast %gt3A_99 : f32 to vector<128x512xf32>
    %gt3A_101 = arith.cmpf ogt, %get3A_8, %gt3A_100 : vector<128x512xf32>
    %and3A_102 = arith.andi %lt3A_98, %gt3A_101 : vector<128x512xi1>
    %convert_element_type3A_103 = arith.extui %and3A_102 : vector<128x512xi1> to vector<128x512xi32>
    %convert_element_type3A_104 = arith.sitofp %convert_element_type3A_103 : vector<128x512xi32> to vector<128x512xf32>
    %dot_general3A = arith.constant dense<0.000000e+00> : vector<32x512xf32>
    %dot_general3A_105 = tpu.matmul %convert_element_type3A_82, %get3A_96, %dot_general3A {dimension_numbers = #tpu.dot_dimension_numbers<[1], [0], [0], [1], [0, 0, 1, 1], [], []>, transpose_lhs_hint = false} : vector<32x128xf32>, vector<128x512xf32>, vector<32x512xf32> -> vector<32x512xf32>
    %dot_general3A_106 = arith.constant dense<0.000000e+00> : vector<32x128xf32>
    %dot_general3A_107 = tpu.matmul %dot_general3A_105, %convert_element_type3A_90, %dot_general3A_106 {dimension_numbers = #tpu.dot_dimension_numbers<[1], [0], [0], [1], [0, 0, 1, 1], [], []>, transpose_lhs_hint = false} : vector<32x512xf32>, vector<512x128xf32>, vector<32x128xf32> -> vector<32x128xf32>
    %swap3A_108 = arith.constant 0 : index
    %swap3A_109 = arith.constant 0 : index
    %swap3A_110 = arith.constant 0 : index
    %swap3A_111 = vector.load %arg10[%swap3A_108, %swap3A_109, %swap3A_110] : memref<1x32x128xf32, #tpu.memory_space<vmem>>, vector<1x32x128xf32>
    %swap3A_112 = vector.shape_cast %swap3A_111 : vector<1x32x128xf32> to vector<32x128xf32>
    %swap3A_113 = vector.shape_cast %dot_general3A_107 : vector<32x128xf32> to vector<1x32x128xf32>
    tpu.vector_store %arg10[%swap3A_108, %swap3A_109, %swap3A_110], %swap3A_113 {strides = array<i32>} : memref<1x32x128xf32, #tpu.memory_space<vmem>>, vector<1x32x128xf32>,
    %dot_general3A_114 = arith.constant dense<0.000000e+00> : vector<32x512xf32>
    %dot_general3A_115 = tpu.matmul %convert_element_type3A_82, %convert_element_type3A_104, %dot_general3A_114 {dimension_numbers = #tpu.dot_dimension_numbers<[1], [0], [0], [1], [0, 0, 1, 1], [], []>, transpose_lhs_hint = false} : vector<32x128xf32>, vector<128x512xf32>, vector<32x512xf32> -> vector<32x512xf32>
    %dot_general3A_116 = arith.constant dense<0.000000e+00> : vector<32x128xf32>
    %dot_general3A_117 = tpu.matmul %dot_general3A_115, %convert_element_type3A_90, %dot_general3A_116 {dimension_numbers = #tpu.dot_dimension_numbers<[1], [0], [0], [1], [0, 0, 1, 1], [], []>, transpose_lhs_hint = false} : vector<32x512xf32>, vector<512x128xf32>, vector<32x128xf32> -> vector<32x128xf32>
    %swap3A_118 = arith.constant 0 : index
    %swap3A_119 = arith.constant 0 : index
    %swap3A_120 = arith.constant 0 : index
    %swap3A_121 = vector.load %arg11[%swap3A_118, %swap3A_119, %swap3A_120] : memref<1x32x128xf32, #tpu.memory_space<vmem>>, vector<1x32x128xf32>
    %swap3A_122 = vector.shape_cast %swap3A_121 : vector<1x32x128xf32> to vector<32x128xf32>
    %swap3A_123 = vector.shape_cast %dot_general3A_117 : vector<32x128xf32> to vector<1x32x128xf32>
    tpu.vector_store %arg11[%swap3A_118, %swap3A_119, %swap3A_120], %swap3A_123 {strides = array<i32>} : memref<1x32x128xf32, #tpu.memory_space<vmem>>, vector<1x32x128xf32>,
    return
  }
  func.func @transform_0(%arg0: i32, %arg1: i32) -> (i32, i32, i32, i32) {
    %c0_i32 = arith.constant 0 : i32
    %c0_i32_0 = arith.constant 0 : i32
    %c0_i32_1 = arith.constant 0 : i32
    return %arg0, %c0_i32, %arg1, %c0_i32_0 : i32, i32, i32, i32
  }
  func.func @transform_1(%arg0: i32, %arg1: i32) -> (i32, i32, i32, i32) {
    %c0_i32 = arith.constant 0 : i32
    %c0_i32_0 = arith.constant 0 : i32
    %c0_i32_1 = arith.constant 0 : i32
    return %arg0, %c0_i32, %arg1, %c0_i32_0 : i32, i32, i32, i32
  }
  func.func @transform_2(%arg0: i32, %arg1: i32) -> (i32, i32, i32, i32) {
    %c0_i32 = arith.constant 0 : i32
    %c0_i32_0 = arith.constant 0 : i32
    %c0_i32_1 = arith.constant 0 : i32
    return %arg0, %c0_i32, %arg1, %c0_i32_0 : i32, i32, i32, i32
  }
  func.func @transform_3(%arg0: i32, %arg1: i32) -> (i32, i32, i32, i32) {
    %c0_i32 = arith.constant 0 : i32
    %c0_i32_0 = arith.constant 0 : i32
    %c0_i32_1 = arith.constant 0 : i32
    return %arg0, %c0_i32, %arg1, %c0_i32_0 : i32, i32, i32, i32
  }
  func.func @transform_4(%arg0: i32, %arg1: i32) -> (i32, i32, i32, i32) {
    %c0_i32 = arith.constant 0 : i32
    %c0_i32_0 = arith.constant 0 : i32
    %c0_i32_1 = arith.constant 0 : i32
    return %arg0, %c0_i32, %arg1, %c0_i32_0 : i32, i32, i32, i32
  }
  func.func @transform_5(%arg0: i32, %arg1: i32) -> (i32, i32, i32, i32) {
    %c0_i32 = arith.constant 0 : i32
    %c0_i32_0 = arith.constant 0 : i32
    %c0_i32_1 = arith.constant 0 : i32
    return %arg0, %c0_i32, %arg1, %c0_i32_0 : i32, i32, i32, i32
  }
  func.func @transform_6(%arg0: i32, %arg1: i32) -> (i32, i32) {
    %c0_i32 = arith.constant 0 : i32
    %c0_i32_0 = arith.constant 0 : i32
    %c0_i32_1 = arith.constant 0 : i32
    return %c0_i32, %c0_i32_0 : i32, i32
  }
  func.func @transform_7(%arg0: i32, %arg1: i32) -> (i32, i32, i32) {
    %c0_i32 = arith.constant 0 : i32
    %c0_i32_0 = arith.constant 0 : i32
    return %arg0, %arg1, %c0_i32 : i32, i32, i32
  }
  func.func @transform_8(%arg0: i32, %arg1: i32) -> (i32, i32, i32) {
    %c0_i32 = arith.constant 0 : i32
    %c0_i32_0 = arith.constant 0 : i32
    return %arg0, %arg1, %c0_i32 : i32, i32, i32
  }
  func.func @transform_9(%arg0: i32, %arg1: i32) -> (i32, i32, i32) {
    %c0_i32 = arith.constant 0 : i32
    %c0_i32_0 = arith.constant 0 : i32
    return %arg0, %arg1, %c0_i32 : i32, i32, i32
  }
}

module attributes {stable_mosaic.version = 14 : i64} {
  func.func @_combine_body(%arg0: memref<32x24x16xf32, #tpu.memory_space<vmem>>, %arg1: memref<8x512xf32, #tpu.memory_space<vmem>>, %arg2: memref<8x128xf32, #tpu.memory_space<vmem>>) attributes {dimension_semantics = [], scalar_prefetch = 0 : i64, scratch_operands = 0 : i64, tpu.core_type = #tpu.core_type<tc>} {
    %get3A = arith.constant 0 : index
    %get3A_0 = arith.constant 0 : index
    %get3A_1 = arith.constant 0 : index
    %get3A_2 = vector.load %arg0[%get3A, %get3A_0, %get3A_1] : memref<32x24x16xf32, #tpu.memory_space<vmem>>, vector<32x24x16xf32>
    %reduce_sum3A = arith.constant dense<0.000000e+00> : vector<32x24xf32>
    %reduce_sum3A_3 = vector.multi_reduction <add>, %get3A_2, %reduce_sum3A [2] : vector<32x24x16xf32> to vector<32x24xf32>
    %reshape3A = vector.shape_cast %reduce_sum3A_3 : vector<32x24xf32> to vector<8x4x24xf32>
    %reduce_sum3A_4 = arith.constant dense<0.000000e+00> : vector<8x24xf32>
    %reduce_sum3A_5 = vector.multi_reduction <add>, %reshape3A, %reduce_sum3A_4 [1] : vector<8x4x24xf32> to vector<8x24xf32>
    %slice3A = vector.extract_strided_slice %reduce_sum3A_5 {offsets = [0, 0], sizes = [8, 8], strides = [1, 1]} : vector<8x24xf32> to vector<8x8xf32>
    %slice3A_6 = vector.extract_strided_slice %reduce_sum3A_5 {offsets = [0, 8], sizes = [8, 8], strides = [1, 1]} : vector<8x24xf32> to vector<8x8xf32>
    %slice3A_7 = vector.extract_strided_slice %reduce_sum3A_5 {offsets = [0, 16], sizes = [8, 8], strides = [1, 1]} : vector<8x24xf32> to vector<8x8xf32>
    %div3A = arith.constant 1.638400e+04 : f32
    %div3A_8 = vector.broadcast %div3A : f32 to vector<8x8xf32>
    %div3A_9 = arith.divf %slice3A, %div3A_8 : vector<8x8xf32>
    %lt3A = arith.constant 0.00999999977 : f32
    %lt3A_10 = vector.broadcast %lt3A : f32 to vector<8x8xf32>
    %lt3A_11 = arith.cmpf olt, %div3A_9, %lt3A_10 : vector<8x8xf32>
    %not3A = arith.constant dense<true> : vector<8x8xi1>
    %not3A_12 = arith.xori %lt3A_11, %not3A : vector<8x8xi1>
    %div3A_13 = arith.divf %slice3A_7, %slice3A : vector<8x8xf32>
    %div3A_14 = arith.divf %slice3A_6, %slice3A : vector<8x8xf32>
    %gt3A = arith.constant 0.00999999977 : f32
    %gt3A_15 = vector.broadcast %gt3A : f32 to vector<8x8xf32>
    %gt3A_16 = arith.cmpf ogt, %div3A_14, %gt3A_15 : vector<8x8xf32>
    %and3A = arith.andi %not3A_12, %gt3A_16 : vector<8x8xi1>
    %jit3A = arith.constant 0.000000e+00 : f32
    %broadcast_in_dim3A = vector.broadcast %jit3A : f32 to vector<8x8xf32>
    %select_n3A = arith.select %and3A, %div3A_13, %broadcast_in_dim3A : vector<8x8xi1>, vector<8x8xf32>
    %reduce_sum3A_17 = vector.shape_cast %select_n3A : vector<8x8xf32> to vector<1x8x8xf32>
    %reduce_sum3A_18 = arith.constant dense<0.000000e+00> : vector<1xf32>
    %reduce_sum3A_19 = vector.multi_reduction <add>, %reduce_sum3A_17, %reduce_sum3A_18 [1, 2] : vector<1x8x8xf32> to vector<1xf32>
    %reduce_sum3A_20 = vector.shape_cast %reduce_sum3A_19 : vector<1xf32> to vector<1x1x1xf32>
    %reduce_sum3A_21 = vector.extract %reduce_sum3A_20[0, 0, 0] : f32 from vector<1x1x1xf32>
    %convert_element_type3A = arith.extui %and3A : vector<8x8xi1> to vector<8x8xi32>
    %convert_element_type3A_22 = arith.sitofp %convert_element_type3A : vector<8x8xi32> to vector<8x8xf32>
    %reduce_sum3A_23 = vector.shape_cast %convert_element_type3A_22 : vector<8x8xf32> to vector<1x8x8xf32>
    %reduce_sum3A_24 = arith.constant dense<0.000000e+00> : vector<1xf32>
    %reduce_sum3A_25 = vector.multi_reduction <add>, %reduce_sum3A_23, %reduce_sum3A_24 [1, 2] : vector<1x8x8xf32> to vector<1xf32>
    %reduce_sum3A_26 = vector.shape_cast %reduce_sum3A_25 : vector<1xf32> to vector<1x1x1xf32>
    %reduce_sum3A_27 = vector.extract %reduce_sum3A_26[0, 0, 0] : f32 from vector<1x1x1xf32>
    %get3A_28 = arith.constant 0 : index
    %get3A_29 = arith.constant 0 : index
    %get3A_30 = vector.load %arg1[%get3A_28, %get3A_29] : memref<8x512xf32, #tpu.memory_space<vmem>>, vector<1x512xf32>
    %reduce_sum3A_31 = vector.shape_cast %get3A_30 : vector<1x512xf32> to vector<1x1x512xf32>
    %reduce_sum3A_32 = arith.constant dense<0.000000e+00> : vector<1xf32>
    %reduce_sum3A_33 = vector.multi_reduction <add>, %reduce_sum3A_31, %reduce_sum3A_32 [1, 2] : vector<1x1x512xf32> to vector<1xf32>
    %reduce_sum3A_34 = vector.shape_cast %reduce_sum3A_33 : vector<1xf32> to vector<1x1x1xf32>
    %reduce_sum3A_35 = vector.extract %reduce_sum3A_34[0, 0, 0] : f32 from vector<1x1x1xf32>
    %get3A_36 = arith.constant 1 : index
    %get3A_37 = arith.constant 0 : index
    %get3A_38 = vector.load %arg1[%get3A_36, %get3A_37] : memref<8x512xf32, #tpu.memory_space<vmem>>, vector<1x512xf32>
    %reduce_sum3A_39 = vector.shape_cast %get3A_38 : vector<1x512xf32> to vector<1x1x512xf32>
    %reduce_sum3A_40 = arith.constant dense<0.000000e+00> : vector<1xf32>
    %reduce_sum3A_41 = vector.multi_reduction <add>, %reduce_sum3A_39, %reduce_sum3A_40 [1, 2] : vector<1x1x512xf32> to vector<1xf32>
    %reduce_sum3A_42 = vector.shape_cast %reduce_sum3A_41 : vector<1xf32> to vector<1x1x1xf32>
    %reduce_sum3A_43 = vector.extract %reduce_sum3A_42[0, 0, 0] : f32 from vector<1x1x1xf32>
    %div3A_44 = arith.divf %reduce_sum3A_35, %reduce_sum3A_43 : f32
    %div3A_45 = arith.divf %reduce_sum3A_21, %reduce_sum3A_27 : f32
    %add3A = arith.addf %div3A_44, %div3A_45 : f32
    %broadcast_in_dim3A_46 = vector.broadcast %add3A : f32 to vector<8x128xf32>
    %swap3A = arith.constant 0 : index
    %swap3A_47 = arith.constant 0 : index
    %swap3A_48 = vector.load %arg2[%swap3A, %swap3A_47] : memref<8x128xf32, #tpu.memory_space<vmem>>, vector<8x128xf32>
    tpu.vector_store %arg2[%swap3A, %swap3A_47], %broadcast_in_dim3A_46 {strides = array<i32>} : memref<8x128xf32, #tpu.memory_space<vmem>>, vector<8x128xf32>,
    return
  }
}

</mosaic_0001>

<sc_bundles>
// kernel: kernel.5.cloned.1.call-start
scs
__scs_entry_jumppad:
0x0: {  	(pc) =	sbr.rel $0x88, $3  }
0x1: {  	(tag) =	ssettag $0x0;
	lr =	simm.s32 $0x1  }
0x2: {  	[smem:$0x3F9B] =	sst lr;
	_ =	strace $0xD0000000  }
0x3: {  	_ = 	snop  }
0x4: {  	_ = 	snop  }
0x5: {  	_ = 	snop  }
0x6: {  	_ = 	snop  }
0x7: {  	_ = 	snop  }
__scs_overlays_trampoline_lowered:
0x8: {  	[smem:$0x3FAA] =	sst s0  }
0x9: {  	[smem:$0x3FAB] =	sst s1  }
0xa: {  	[smem:$0x3FAC] =	sst s2  }
0xb: {  	[smem:$0x3FAD] =	sst s3  }
0xc: {  	[smem:$0x3FAE] =	sst s4  }
0xd: {  	[smem:$0x3FAF] =	sst s5  }
0xe: {  	[smem:$0x3FB0] =	sst s6  }
0xf: {  	[smem:$0x3FB1] =	sst s7  }
0x10: {  	[smem:$0x3FB2] =	sst s8  }
0x11: {  	[smem:$0x3FB3] =	sst s9;
	s0 =	simm.s32 @!p0 $0x0  }
0x12: {  	s1 =	sld [smem:$0x3F99];
	s0 =	simm.s32 @p0 $0x1  }
0x13: {  	[smem:$0x3FB4] =	sst s0;
	s0 =	simm.s32 @!p1 $0x0  }
0x14: {  	s2 =	sld [smem:$0x3F98];
	s0 =	simm.s32 @p1 $0x1  }
0x15: {  	[smem:$0x3FB5] =	sst s0;
	s0 =	simm.s32 @!p2 $0x0  }
0x16: {  	s3 =	sld [smem:$0x3FDB];
	s0 =	simm.s32 @p2 $0x1  }
0x17: {  	s4 =	simm.s32 $0x1BF5;
	[smem:$0x3FB7] =	sst s0  }
0x18: {  	s0 =	sld [smem:$0x3F9A];
	_ =	swait.ge [sflag:s4], $0x0  }
0x19: {  	s7 =	sld [smem:$0x3F9B]  }
0x1a: {  	s8 =	sadd.s32 $0xFFFFE003, lr  }
0x1b: {  	s9 =	sadd.s32 $0xFFFFFEF7, lr;
	s5 =	simm.s32 $0xFFFFFFFF;
	p2 =	slt.u32 s8, $0xFFFFF086  }
0x1c: {  	p1 =	slt.u32 s9, $0xF7A;
	s5 =	simm.s32 @!p2 $0x0  }
0x1d: {  	s5 =	simm.s32 @p1 $0x1;
	p0 =	seq.s32 s7, s2  }
0x1e: {  	s7 =	smul.u32 @!p0 $0xF7A, s2;
	p2 =	seq.s32 @!p0 s5, $0x0  }
0x1f: {  	s9 =	smul.u32 $0xF7A, s1;
	s8 =	simm.s32 @!p0 $0x1BF5;
	p2 =	por !p2, p0  }
0x20: {  	[sflag:s8] =	ssyncset.s32 @!p0 $0xFFFFF086;
	s6 =	sadd.s32 @!p0 s3, s7;
	s7 =	simm.s32 @!p0 $0x108  }
0x21: {  	s3 =	sadd.s32 s3, s9;
	s6 =	sadd.s32 @!p0 $0x88, s6;
	s7 =	simm.s32 @p2 $0x1082  }
0x22: {  	[simem:s7], [sflag:s8] =	dma.local @!p0 [hbm:s6], $0xF7A  }
0x23: {  	s9 =	sor.u32 $0xD0000000, s2;
	s6 =	simm.s32 $0x108;
	_ =	swait.ge @!p0 [sflag:s8], $0x0  }
0x24: {  	s3 =	sadd.s32 $0x88, s3;
	s6 =	simm.s32 @!p1 $0x1082;
	[sflag:s4] =	ssyncset.s32 $0xFFFFF086  }
0x25: {  	[simem:s6], [sflag:s4] =	dma.local [hbm:s3], $0xF7A  }
0x26: {  	[smem:$0x3F9B] =	sst s1;
	(tag) =	ssettag s2;
	_ =	strace s9  }
0x27: {  	s1 =	sld [smem:$0x3FAB]  }
0x28: {  	s2 =	sld [smem:$0x3FAC]  }
0x29: {  	s4 =	sld [smem:$0x3FAE]  }
0x2a: {  	p0 =	seq.s32 s5, $0x0;
	s5 =	sld [smem:$0x3FAF]  }
0x2b: {  	s6 =	sld [smem:$0x3FB0]  }
0x2c: {  	s7 =	sld [smem:$0x3FB1]  }
0x2d: {  	s3 =	simm.s32 $0x108;
	s8 =	sld [smem:$0x3FB2]  }
0x2e: {  	s3 =	simm.s32 @!p0 $0x1082;
	s9 =	sld [smem:$0x3FB3]  }
0x2f: {  	lr =	sadd.s32 s0, s3;
	s0 =	sld [smem:$0x3FAA]  }
0x30: {  	s3 =	sld [smem:$0x3FAD]  }
0x31: {  	[smem:$0x3FB6] =	sst s10  }
0x32: {  	s10 =	sld [smem:$0x3FB4];
	_ =	sdelay $0x3  }
0x33: {  	p0 =	seq.s32 s10, $0x1;
	s10 =	sld [smem:$0x3FB6];
	_ =	sdelay $0x3  }
0x34: {  	[smem:$0x3FB6] =	sst s10  }
0x35: {  	s10 =	sld [smem:$0x3FB5];
	_ =	sdelay $0x3  }
0x36: {  	p1 =	seq.s32 s10, $0x1;
	s10 =	sld [smem:$0x3FB6];
	_ =	sdelay $0x3  }
0x37: {  	[smem:$0x3FB6] =	sst s10  }
0x38: {  	s10 =	sld [smem:$0x3FB7]  }
0x39: {  	_ = 	snop;
	(pc) =	sbr.ind lr, $3  }
0x3a: {  	_ = 	snop  }
0x3b: {  	_ = 	snop  }
0x3c: {  	p2 =	seq.s32 s10, $0x1;
	s10 =	sld [smem:$0x3FB6]  }
0x3d: {  	_ =	shalt  }
0x3e: {  	_ =	shalt  }
0x3f: {  	_ =	shalt  }
0x40: {  	_ =	shalt  }
0x41: {  	_ =	shalt  }
0x42: {  	_ =	shalt  }
0x43: {  	_ =	shalt  }
0x44: {  	_ =	shalt  }
0x45: {  	_ =	shalt  }
0x46: {  	_ =	shalt  }
0x47: {  	_ =	shalt  }
0x48: {  	_ =	shalt  }
0x49: {  	_ =	shalt  }
0x4a: {  	_ =	shalt  }
0x4b: {  	_ =	shalt  }
0x4c: {  	_ =	shalt  }
0x4d: {  	_ =	shalt  }
0x4e: {  	_ =	shalt  }
0x4f: {  	_ =	shalt  }
0x50: {  	_ =	shalt  }
0x51: {  	_ =	shalt  }
0x52: {  	_ =	shalt  }
0x53: {  	_ =	shalt  }
0x54: {  	_ =	shalt  }
0x55: {  	_ =	shalt  }
0x56: {  	_ =	shalt  }
0x57: {  	_ =	shalt  }
0x58: {  	_ =	shalt  }
0x59: {  	_ =	shalt  }
0x5a: {  	_ =	shalt  }
0x5b: {  	_ =	shalt  }
0x5c: {  	_ =	shalt  }
0x5d: {  	_ =	shalt  }
0x5e: {  	_ =	shalt  }
0x5f: {  	_ =	shalt  }
0x60: {  	_ =	shalt  }
0x61: {  	_ =	shalt  }
0x62: {  	_ =	shalt  }
0x63: {  	_ =	shalt  }
0x64: {  	_ =	shalt  }
0x65: {  	_ =	shalt  }
0x66: {  	_ =	shalt  }
0x67: {  	_ =	shalt  }
0x68: {  	_ =	shalt  }
0x69: {  	_ =	shalt  }
0x6a: {  	_ =	shalt  }
0x6b: {  	_ =	shalt  }
0x6c: {  	_ =	shalt  }
0x6d: {  	_ =	shalt  }
0x6e: {  	_ =	shalt  }
0x6f: {  	_ =	shalt  }
0x70: {  	_ =	shalt  }
0x71: {  	_ =	shalt  }
0x72: {  	_ =	shalt  }
0x73: {  	_ =	shalt  }
0x74: {  	_ =	shalt  }
0x75: {  	_ =	shalt  }
0x76: {  	_ =	shalt  }
0x77: {  	_ =	shalt  }
0x78: {  	_ =	shalt  }
0x79: {  	_ =	shalt  }
0x7a: {  	_ =	shalt  }
0x7b: {  	_ =	shalt  }
0x7c: {  	_ =	shalt  }
0x7d: {  	_ =	shalt  }
0x7e: {  	_ =	shalt  }
0x7f: {  	_ =	shalt  }
0x80: {  	_ =	shalt  }
0x81: {  	_ =	shalt  }
0x82: {  	_ =	shalt  }
0x83: {  	_ =	shalt  }
0x84: {  	_ =	shalt  }
0x85: {  	_ =	shalt  }
0x86: {  	_ =	shalt  }
0x87: {  	_ =	shalt  }
.Lfunc_end0:
.L_simem_size_0:
called_computation_lowered:
.L_overlay_start_0:
0x88: {  	s2 =	sld [smem:$0x3FD9]  }
0x89: {  	s3 =	sld [smem:$0x3FFE];
	_ =	sdelay $0x1  }
0x8a: {  	s1 =	srdreg.scid  }
0x8b: {  	s0 =	sand.u32 $0x1, s1  }
0x8c: {  	s16 =	sshll.u32 s0, $0xA;
	s2 =	sadd.s32 s3, s2  }
0x8d: {  	s2 =	sadd.s32 s2, s16  }
0x8e: {  	[smem:$0x3FC2] =	sst s2  }
0x8f: {  	_ = 	snop  }
0x90: {  	(tm) =	ssettm $0x1  }
0x91: {  	s17 =	sld [smem:$0x3FFB];
	_ =	sdelay $0x3  }
0x92: {  	_ =	strace s17  }
0x93: {  	s2 =	sld [smem:$0x3FFC];
	_ =	sdelay $0x3  }
0x94: {  	_ =	strace s2  }
0x95: {  	s2 =	sld [smem:$0x3FFD];
	_ =	sdelay $0x3  }
0x96: {  	_ =	strace s2  }
0x97: {  	_ =	strace $0x8FFFFFFF  }
0x98: {  	s18 =	sld [smem:$0x3FDB];
	_ =	sdelay $0x1  }
0x99: {  	s19 =	simm.s32 $_scs_section_size  }
0x9a: {  	s4 =	simm.s32 $_size__tile_overlayer_lowered;
	s5 =	simm.s32 $_tile_overlayer_lowered  }
0x9b: {  	s22 =	simm.s32 $0x1BFF;
	s21 =	sshll.u32 s5, $0x1;
	s2 =	sadd.s32 s19, s18  }
0x9c: {  	s6 =	simm.s32 $0x0;
	s20 =	sshll.u32 s4, $0x1;
	s4 =	sadd.s32 s21, s2  }
0x9d: {  	[timem:s6], [sflag:s22] =	dma.local [hbm:s4], s20  }
0x9e: {  	_ =	swait.ge [sflag:s22], s20  }
0x9f: {  	s3 =	ssub.s32 $0x0, s20;
	[sflag:s22] =	ssyncset.done $0x0  }
0xa0: {  	[sflag:s22] =	ssyncadd.s32 s3;
	_ =	sdelay $0x1  }
0xa1: {  	s23 =	simm.s32 $0x1B8B  }
0xa2: {  	_ =	swait.ge [sflag:s23], $0x1  }
0xa3: {  	[sflag:s23] =	ssyncset.done $0x0  }
0xa4: {  	s25 =	simm.s32 $0x1B8E;
	s24 =	sld [smem:$0x3FFE];
	[sflag:s23] =	ssyncadd.s32 $0xFFFFFFFF  }
0xa5: {  	s26 =	simm.s32 $execute0_lowered;
	[smem:$0x3FD2] =	sst s25  }
0xa6: {  	s4 =	sshll.u32 s26, $0x1;
	_ =	strace $0x80000046;
	[dreg:$0x1] =	wrdreg $0xFFFFFFFF  }
0xa7: {  	s28 =	simm.s32 $_size_execute0_lowered;
	s2 =	sadd.s32 s2, s4;
	[dreg:$0x0] =	wrdreg $0x0  }
0xa8: {  	s4 =	sshll.u32 s28, $0x1;
	[dreg:$0x2] =	wrdreg s2  }
0xa9: {  	[dreg:$0x3] =	wrdreg s4  }
0xaa: {  	[dreg:$0x4] =	wrdreg $0xC0  }
0xab: {  	_ =	task [dreg:s6], $0x5FFFF  }
0xac: {  	[dreg:$0x1] =	wrdreg $0xFFFFFFFF  }
0xad: {  	[dreg:$0x0] =	wrdreg $0x60  }
0xae: {  	[dreg:$0x2] =	wrdreg s24  }
0xaf: {  	[dreg:$0x3] =	wrdreg $0x9  }
0xb0: {  	_ =	task.clear_ibuf [dreg:s6], $0x4FFFF;
	_ =	strace $0x90000046  }
0xb1: {  	s29 =	simm.s32 $0x9;
	_ =	strace $0x80000048  }
0xb2: {  	_ =	swait.ge [sflag:s29], $0x1  }
0xb3: {  	[sflag:s29] =	ssyncadd.s32 $0xFFFFFFFF  }
0xb4: {  	_ =	strace $0x90000048  }
0xb5: {  	_ =	sfence  }
0xb6: {  	s30 =	sld [smem:$0x0];
	_ =	sdelay $0x2  }
0xb7: {  	s31 =	sshll.u32 s1, $0xD;
	s1 =	sshrl.u32 s1, $0x2  }
0xb8: {  	s3 =	sand.u32 $0x4000, s31;
	s1 =	sadd.s32 s1, s30  }
0xb9: {  	s0 =	sor.u32 s3, s0;
	s1 =	sshll.u32 s1, $0x11  }
0xba: {  	s0 =	sor.u32 s1, s0  }
0xbb: {  	s0 =	sadd.s32 $0x8F2B, s0  }
0xbc: {  	[sflag:s0] =	ssyncadd.remote.s32 $0x1  }
0xbd: {  	_ =	sfence.sel $0xFFFF  }
0xbe: {  	[dreg:$0x0] =	wrdreg $0xFFFFFFFF;
	(pc) =	sbr.abs _section_cstart, $3  }
0xbf: {  	[dreg:$0x1] =	wrdreg $0xFFFFFFFF  }
0xc0: {  	_ =	task.clear_ibuf [dreg:s6], $0x2FFFF;
	_ =	strace $0x9FFFFFFF  }
0xc1: {  	(tm) =	ssettm $0x7FFFFFFF  }
tec
execute0_lowered:
.L_overlay_start_1:
0x0: {  	(tag) =	ssettag $0x1  }
0x1: {  	s1 =	srdreg.scid;
	s0 =	stileid.u32  }
0x2: {  	s3 =	rddreg [dreg:$0x0];
	s2 =	simm.s32 $0x0;
	s8 =	simm.s32 $0x1000  }
0x3: {  	s9 =	simm.s32 $0x2000;
	s10 =	simm.s32 $0x3;
	s11 =	simm.s32 $0x1  }
0x4: {  	s12 =	simm.s32 $0x2;
	s13 =	simm.s32 $0x3000;
	s14 =	simm.s32 $0x0  }
0x5: {  	s4 =	sand.u32 $0x1, s1;
	s5 =	sshll.u32 s0, $0x1;
	s1 =	rddreg [dreg:$0x1]  }
0x6: {  	[smem:$0x7FF] =	sst s2;
	s5 =	sor.u32 s4, s5;
	s4 =	ssub.s32 $0x2, s4  }
0x7: {  	s6 =	smul.u32 $0x30, s5;
	s5 =	sshll.u32 s5, $0x9;
	s7 =	sshrl.u32 s4, $0x1  }
0x8: {  	_ =	strace $0x80000047;
	s5 =	sadd.s32 s5, s3;
	s7 =	ssub.s32 s4, s7  }
0x9: {  	s6 =	sadd.s32 s6, s3;
	s3 =	sadd.s32 $0x1000, s5;
	s4 =	sadd.s32 $0x9000, s5  }
0xa: {  	v0 =	vimm.f32 $0.0e+00;
	s5 =	sadd.s32 $0x5000, s5;
	s7 =	smax.u32 s7, $0x1;
	s6 =	sadd.s32 $0xD000, s6  }
.LBB2_1:
0xb: {  	[tilespmem:s2], [sflag:$0x1] =	stream.linear.gather [hbm4b:s3+s2], $0x1000, $0x38;
	[tilespmem:$0x3180] =	vst v63  }
0xc: {  	_ = 	snop  }
0xd: {  	[tilespmem:s8], [sflag:$0x2] =	stream.linear.gather [hbm4b:s4+s2], $0x1000, $0x38;
	[tilespmem:$0x3180] =	vst v63  }
0xe: {  	_ = 	snop  }
0xf: {  	[tilespmem:s9], [sflag:$0x3] =	stream.linear.gather [hbm4b:s5+s2], $0x1000, $0x38;
	[tilespmem:$0x3180] =	vst v63  }
0x10: {  	_ =	swait.ge [sflag:s10], $0x1000  }
0x11: {  	[sflag:s10] =	ssyncset.done $0x0  }
0x12: {  	[sflag:s10] =	ssyncadd.s32 $0xFFFFF000  }
0x13: {  	_ =	swait.ge [sflag:s11], $0x1000  }
0x14: {  	[sflag:s11] =	ssyncset.done $0x0  }
0x15: {  	[sflag:s11] =	ssyncadd.s32 $0xFFFFF000  }
0x16: {  	_ =	swait.ge [sflag:s12], $0x1000  }
0x17: {  	[sflag:s12] =	ssyncset.done $0x0  }
0x18: {  	s15 =	simm.s32 $0x0;
	[sflag:s12] =	ssyncadd.s32 $0xFFFFF000  }
0x19: {  	v27 =	vimm.f32 $0.0e+00;
	v21 =	vimm.f32 $0.0e+00;
	v13 =	vimm.f32 $0.0e+00;
	v2 =	vld [tilespmem:s15+$0x0]  }
0x1a: {  	v20 =	vimm.f32 $0.0e+00;
	v31 =	vimm.f32 $0.0e+00;
	v28 =	vimm.f32 $0.0e+00  }
0x1b: {  	v25 =	vimm.f32 $0.0e+00;
	v29 =	vimm.f32 $0.0e+00;
	v32 =	vimm.f32 $0.0e+00;
	v3 =	vld [tilespmem:s15+$0x1000]  }
0x1c: {  	v22 =	vimm.f32 $0.0e+00;
	v19 =	vimm.f32 $0.0e+00;
	v12 =	vimm.f32 $0.0e+00;
	v1 =	vld [tilespmem:s15+$0x2000]  }
0x1d: {  	v23 =	vimm.f32 $0.0e+00;
	v26 =	vimm.f32 $0.0e+00;
	v17 =	vimm.f32 $0.0e+00  }
0x1e: {  	vm3 =	veq.f32 v2, $0.0e+00;
	vm4 =	veq.f32 v2, $1.000000000e+00;
	vm0 =	veq.f32 v2, $3.000000000e+00  }
0x1f: {  	vm2 =	veq.f32 v2, $4.000000000e+00;
	vm5 =	veq.f32 v2, $6.000000000e+00;
	vm6 =	veq.f32 v2, $7.000000000e+00  }
0x20: {  	vm7 =	veq.f32 v2, $2.000000000e+00;
	vm1 =	veq.f32 v2, $5.000000000e+00;
	v8 =	vnsel vm3, $0x0, v3  }
0x21: {  	v16 =	vnsel vm3, $0x0, v1;
	v4 =	vnsel vm5, $0x0, v1;
	v30 =	vsel vm6, $0x3F800000, v0  }
0x22: {  	v5 =	vnsel vm4, $0x0, v3;
	v7 =	vnsel vm5, $0x0, v3;
	v14 =	vnsel vm6, $0x0, v3  }
0x23: {  	v6 =	vnsel vm6, $0x0, v1;
	v9 =	vnsel vm4, $0x0, v1;
	v33 =	vnsel vm7, $0x0, v3  }
0x24: {  	v10 =	vnsel vm7, $0x0, v1;
	v37 =	vsel vm3, $0x3F800000, v0;
	v34 =	vsel vm7, $0x3F800000, v0  }
0x25: {  	v24 =	vnsel vm0, $0x0, v3;
	v36 =	vsel vm1, $0x3F800000, v0;
	v38 =	vsel vm4, $0x3F800000, v0  }
0x26: {  	v35 =	vnsel vm2, $0x0, v1;
	v2 =	vadd.f32 v4, v0;
	v4 =	vadd.f32 v9, v0  }
0x27: {  	v11 =	vadd.f32 v5, v0;
	v5 =	vadd.f32 v10, v0;
	v9 =	vnsel vm2, $0x0, v3  }
0x28: {  	v15 =	vadd.f32 v8, v0;
	v8 =	vsel vm5, $0x3F800000, v0;
	v10 =	vimm.f32 $0.0e+00  }
0x29: {  	s15 =	simm.s32 $0x40;
	v9 =	vadd.f32 v9, v0;
	v18 =	vadd.f32 v8, v0;
	v8 =	vimm.f32 $0.0e+00  }
.LBB2_2:
0x2a: {  	s16 =	sshra.s32 s15, $0x2;
	p0 =	sne.s32 s15, $0x3FC0;
	s15 =	sadd.s32 $0x40, s15;
	v27 =	vadd.f32 v37, v27;
	v37 =	vsel vm0, $0x3F800000, v0;
	v21 =	vadd.f32 v30, v21  }
0x2b: {  	v13 =	vadd.f32 v16, v13;
	v20 =	vadd.f32 v33, v20;
	v33 =	vnsel vm0, $0x0, v1;
	v39 =	vld [tilespmem:s16+$0x0]  }
0x2c: {  	v31 =	vadd.f32 v38, v31;
	v16 =	vsel vm2, $0x3F800000, v0;
	v8 =	vadd.f32 v35, v8  }
0x2d: {  	v25 =	vadd.f32 v36, v25;
	v30 =	vnsel vm1, $0x0, v1;
	v28 =	vadd.f32 v37, v28;
	v1 =	vld [tilespmem:s16+$0x2000]  }
0x2e: {  	v29 =	vadd.f32 v16, v29;
	v16 =	vnsel vm1, $0x0, v3;
	v10 =	vadd.f32 v30, v10;
	v3 =	vld [tilespmem:s16+$0x1000]  }
0x2f: {  	v32 =	vadd.f32 v34, v32;
	v22 =	vadd.f32 v16, v22  }
0x30: {  	v19 =	vadd.f32 v14, v19;
	vm5 =	veq.f32 v39, $0.0e+00;
	vm3 =	veq.f32 v39, $1.000000000e+00  }
0x31: {  	v12 =	vadd.f32 v6, v12;
	vm0 =	veq.f32 v39, $3.000000000e+00;
	vm2 =	veq.f32 v39, $4.000000000e+00  }
0x32: {  	v23 =	vadd.f32 v7, v23;
	vm4 =	veq.f32 v39, $6.000000000e+00;
	vm6 =	veq.f32 v39, $7.000000000e+00  }
0x33: {  	v26 =	vadd.f32 v24, v26;
	v16 =	vnsel vm5, $0x0, v1;
	v35 =	vnsel vm5, $0x0, v3  }
0x34: {  	v17 =	vadd.f32 v33, v17;
	v30 =	vsel vm6, $0x3F800000, v0;
	v24 =	vnsel vm4, $0x0, v1  }
0x35: {  	vm7 =	veq.f32 v39, $2.000000000e+00;
	v38 =	vnsel vm3, $0x0, v3;
	v7 =	vnsel vm4, $0x0, v3  }
0x36: {  	vm1 =	veq.f32 v39, $5.000000000e+00;
	v6 =	vnsel vm6, $0x0, v1;
	v14 =	vnsel vm6, $0x0, v3  }
0x37: {  	v36 =	vnsel vm3, $0x0, v1;
	v39 =	vnsel vm7, $0x0, v1;
	v33 =	vnsel vm7, $0x0, v3  }
.Ltmp0:
0x38: {  	v37 =	vsel vm5, $0x3F800000, v0;
	v34 =	vsel vm7, $0x3F800000, v0;
	v2 =	vadd.f32 v24, v2;
	(pc) =	sbr.rel @p0 .LBB2_2-.Ltmp0, $4  }
0x39: {  	v4 =	vadd.f32 v36, v4;
	v24 =	vnsel vm0, $0x0, v3;
	v36 =	vsel vm1, $0x3F800000, v0  }
0x3a: {  	v5 =	vadd.f32 v39, v5;
	v11 =	vadd.f32 v38, v11;
	v38 =	vnsel vm2, $0x0, v3  }
0x3b: {  	v39 =	vsel vm4, $0x3F800000, v0;
	v15 =	vadd.f32 v35, v15;
	v9 =	vadd.f32 v38, v9  }
0x3c: {  	v35 =	vnsel vm2, $0x0, v1;
	v18 =	vadd.f32 v39, v18;
	v38 =	vsel vm3, $0x3F800000, v0  }
0x3d: {  	[tilespmem:$0x3080] =	vst v15  }
0x3e: {  	[tilespmem:$0x3090] =	vst v11  }
0x3f: {  	[tilespmem:$0x30C0] =	vst v9  }
0x40: {  	[tilespmem:$0x3110] =	vst v4  }
0x41: {  	[tilespmem:$0x3120] =	vst v5  }
0x42: {  	v27 =	vadd.f32 v37, v27;
	[tilespmem:$0x3160] =	vst v2  }
0x43: {  	v31 =	vadd.f32 v38, v31;
	[tilespmem:$0x3060] =	vst v18  }
0x44: {  	v32 =	vadd.f32 v34, v32;
	[tilespmem:$0x3000] =	vst v27  }
0x45: {  	v25 =	vadd.f32 v36, v25;
	[tilespmem:$0x3010] =	vst v31  }
0x46: {  	v21 =	vadd.f32 v30, v21;
	[tilespmem:$0x3020] =	vst v32  }
0x47: {  	v59 =	vadd.f32 v33, v20;
	[tilespmem:$0x3050] =	vst v25  }
0x48: {  	v60 =	vadd.f32 v24, v26;
	[tilespmem:$0x3070] =	vst v21  }
0x49: {  	v7 =	vadd.f32 v7, v23;
	[tilespmem:$0x30A0] =	vst v59  }
0x4a: {  	v61 =	vadd.f32 v14, v19;
	[tilespmem:$0x30B0] =	vst v60  }
0x4b: {  	v3 =	vnsel vm1, $0x0, v3;
	v63 =	vadd.f32 v35, v8;
	[tilespmem:$0x30E0] =	vst v7  }
0x4c: {  	v57 =	vsel vm0, $0x3F800000, v0;
	v3 =	vadd.f32 v3, v22;
	[tilespmem:$0x30F0] =	vst v61  }
0x4d: {  	v28 =	vadd.f32 v57, v28;
	[tilespmem:$0x3140] =	vst v63  }
0x4e: {  	v62 =	vnsel vm0, $0x0, v1;
	v1 =	vnsel vm1, $0x0, v1;
	[tilespmem:$0x30D0] =	vst v3;
	v3 =	vadd.f32 v16, v13  }
0x4f: {  	v1 =	vadd.f32 v1, v10;
	[tilespmem:$0x3030] =	vst v28  }
0x50: {  	v58 =	vsel vm2, $0x3F800000, v0;
	[tilespmem:$0x3100] =	vst v3;
	v3 =	vadd.f32 v62, v17  }
0x51: {  	v27 =	vadd.f32 v58, v29;
	[tilespmem:$0x3150] =	vst v1  }
0x52: {  	s14 =	sadd.s32 $0x1, s14;
	[tilespmem:$0x3130] =	vst v3;
	v3 =	vadd.f32 v6, v12  }
0x53: {  	p0 =	sne.s32 s14, s7;
	[tilespmem:$0x3040] =	vst v27  }
.Ltmp1:
0x54: {  	[tilespmem:$0x3170] =	vst v3;
	(pc) =	sbr.rel @p0 .LBB2_1-.Ltmp1, $4  }
0x55: {  	[hbm4b:s6+s2] =	stream.linear.scatter [tilespmem:s13], [sflag:$0x3], $0x180, $0x38;
	[tilespmem:$0x3180] =	vst v63  }
0x56: {  	_ =	swait.ge [sflag:s10], $0x180  }
0x57: {  	[sflag:s10] =	ssyncset.done $0x0  }
0x58: {  	[sflag:s10] =	ssyncadd.s32 $0xFFFFFE80  }
0x59: {  	_ =	sfence.sel $0x180000  }
0x5a: {  	[bflag:$0x0] =	sbarrier.arrive $0xFFFF  }
0x5b: {  	p0 =	sne.s32 s0, $0x0;
	_ =	strace $0x90000047  }
0x5c: {  	s0 =	sadd.s32 @!p0 $0x100000, s1;
	[bflag:$0x2] =	sbarrier.arrive $0xFFFF  }
0x5d: {  	[sflag:s0] =	ssyncadd.tile.s32 @!p0 $0x1;
	_ =	shalt  }
.Lfunc_end2:
_tile_overlayer_lowered:
.L_overlay_start_2:
0x5e: {  	(tag) =	ssettag $0x2  }
0x5f: {  	s0 =	rddreg [dreg:$0x0];
	s2 =	stileid.u32  }
0x60: {  	s1 =	rddreg [dreg:$0x1];
	p0 =	sne.s32 s2, $0x0  }
0x61: {  	s3 =	rddreg [dreg:$0x2];
	[bflag:$0x3] =	sbarrier.arrive $0xFFFF;
	s2 =	simm.s32 @!p0 $0x1C03  }
0x62: {  	[timem:s3], [sflag:s2] =	dma.local @!p0 [hbm:s0], s1  }
0x63: {  	s0 =	simm.s32 @!p0 $0x3  }
0x64: {  	_ =	swait.ge @!p0 [sflag:s0], s1  }
0x65: {  	s1 =	ssub.s32 @!p0 $0x0, s1;
	[sflag:s0] =	ssyncset.done @!p0 $0x0  }
0x66: {  	[sflag:s0] =	ssyncadd.s32 @!p0 s1  }
0x67: {  	[bflag:$0x3] =	sbarrier.arrive $0xFFFF  }
0x68: {  	_ =	shalt  }

</sc_bundles>
